<compile_context>
chip_gen: v7x
topology: tpu7x:2x2x1
jax: 0.10.2.dev20260603
libtpu: 0.0.44.dev20260713+nightly
codegen_flags: <defaults>
</compile_context>

<pallas_src>
import jax
import jax.numpy as jnp
from jax import lax
from jax.experimental import pallas as pl
from jax.experimental.pallas import tpu as pltpu
from jax.experimental.pallas import tpu_sc as plsc

L = 16
NC, NS = 2, 16
NW = NC * NS
ROWS, COLS = 16384, 1024
ROWS_W = ROWS // NW
CR = 16
NCHUNK = ROWS_W // CR
NSTEP = NCHUNK // 2
UNROLL = 4
H, W = 5, 9


def _body(phi_hbm, sq_hbm, tab_hbm, consts_hbm, out_hbm,
          tab_v, consts_v, phi_v0, phi_v1, sq_v0, sq_v1, out_v0, out_v1,
          sem_in0, sem_in1, sem_out0, sem_out1):
    wid = lax.axis_index("s") * NC + lax.axis_index("c")
    row0 = wid * ROWS_W

    pltpu.sync_copy(tab_hbm, tab_v)
    pltpu.sync_copy(consts_hbm, consts_v)
    biasv = consts_v[pl.ds(0, L)]
    scalev = consts_v[pl.ds(L, L)]
    t_a = tab_v.at[0]
    t_bx = tab_v.at[1]
    t_by = tab_v.at[2]
    t_bxy = tab_v.at[3]

    phi_v = (phi_v0, phi_v1)
    sq_v = (sq_v0, sq_v1)
    out_v = (out_v0, out_v1)
    sem_in = (sem_in0, sem_in1)
    sem_out = (sem_out0, sem_out1)

    def in_slices(i):
        r = row0 + i * CR
        return phi_hbm.at[pl.ds(r, CR)], sq_hbm.at[pl.ds(r, CR)]

    def out_slice(i):
        return out_hbm.at[pl.ds(row0 + i * CR, CR)]

    def start_in(i, b):
        ps, ss = in_slices(i)
        pltpu.async_copy(ps, phi_v[b], sem_in[b])
        pltpu.async_copy(ss, sq_v[b], sem_in[b])

    def wait_in(i, b):
        ps, ss = in_slices(i)
        pltpu.make_async_copy(ps, phi_v[b], sem_in[b]).wait()
        pltpu.make_async_copy(ss, sq_v[b], sem_in[b]).wait()

    def interp(p, q):
        r = p - p.astype(jnp.int32).astype(jnp.float32)
        a = jnp.abs(r)
        pe = jnp.minimum(a, 1.0 - a)
        x = pe * jnp.float32(2 * (W - 1))
        y = jnp.clip(q * scalev + biasv, 0.0, jnp.float32(H - 1))
        x0 = jnp.minimum(x.astype(jnp.int32), W - 2)
        y0 = jnp.minimum(y.astype(jnp.int32), H - 2)
        idx = y0 * (W - 1) + x0
        ca = plsc.load_gather(t_a, [idx])
        cbx = plsc.load_gather(t_bx, [idx])
        cby = plsc.load_gather(t_by, [idx])
        cbxy = plsc.load_gather(t_bxy, [idx])
        return ca + cbx * x + cby * y + cbxy * (x * y)

    def compute(b):
        pv, sv, ov = phi_v[b], sq_v[b], out_v[b]

        @plsc.parallel_loop(0, CR * COLS, step=L, unroll=UNROLL)
        def _(i):
            rr = lax.shift_right_logical(i, 10)
            cc = lax.bitwise_and(i, COLS - 1)
            sl = pl.ds(cc, L)
            ov[rr, sl] = interp(pv[rr, sl], sv[rr, sl])

    start_in(0, 0)
    start_in(1, 1)

    def step_body(s, carry):
        for b in (0, 1):
            i = s * 2 + b
            wait_in(i, b)

            @pl.when(s > 0)
            def _():
                pltpu.make_async_copy(out_v[b], out_slice(i - 2),
                                      sem_out[b]).wait()

            compute(b)
            pltpu.async_copy(out_v[b], out_slice(i), sem_out[b])

            @pl.when(s < NSTEP - 1)
            def _():
                start_in(i + 2, b)

        return carry

    lax.fori_loop(0, NSTEP, step_body, 0)

    for b in (0, 1):
        pltpu.make_async_copy(out_v[b], out_slice(NCHUNK - 2 + b),
                              sem_out[b]).wait()


@jax.jit
def _run(phi, sq, tab, consts):
    mesh = plsc.VectorSubcoreMesh(core_axis_name="c", subcore_axis_name="s")
    return pl.kernel(
        _body,
        out_type=jax.ShapeDtypeStruct((ROWS, COLS), jnp.float32),
        mesh=mesh,
        compiler_params=pltpu.CompilerParams(needs_layout_passes=False),
        scratch_types=[
            pltpu.VMEM((4, (H - 1) * (W - 1)), jnp.float32),
            pltpu.VMEM((2 * L,), jnp.float32),
            pltpu.VMEM((CR, COLS), jnp.float32),
            pltpu.VMEM((CR, COLS), jnp.float32),
            pltpu.VMEM((CR, COLS), jnp.float32),
            pltpu.VMEM((CR, COLS), jnp.float32),
            pltpu.VMEM((CR, COLS), jnp.float32),
            pltpu.VMEM((CR, COLS), jnp.float32),
            pltpu.SemaphoreType.DMA,
            pltpu.SemaphoreType.DMA,
            pltpu.SemaphoreType.DMA,
            pltpu.SemaphoreType.DMA,
        ],
    )(phi, sq, tab, consts)


def kernel(phi, squid_current, g_table, ib_list):
    g = g_table
    c_a = g[:H - 1, :W - 1]
    c_bx = g[:H - 1, 1:] - c_a
    c_by = g[1:, :W - 1] - c_a
    c_bxy = g[1:, 1:] - g[1:, :W - 1] - g[:H - 1, 1:] + c_a
    jj = jnp.arange(W - 1, dtype=jnp.float32)[None, :]
    ii = jnp.arange(H - 1, dtype=jnp.float32)[:, None]
    p_a = c_a - c_bx * jj - c_by * ii + c_bxy * ii * jj
    p_bx = c_bx - c_bxy * ii
    p_by = c_by - c_bxy * jj
    tab = jnp.stack([p_a.reshape(-1), p_bx.reshape(-1),
                     p_by.reshape(-1), c_bxy.reshape(-1)])
    scale = jnp.float32(H - 1) / (ib_list[-1] - ib_list[0])
    bias = -ib_list[0] * scale
    consts = jnp.concatenate([
        jnp.full((L,), bias, jnp.float32),
        jnp.full((L,), scale, jnp.float32),
    ])
    return _run(phi, squid_current, tab, consts)

# --- scband reference (transcript-rebuilt; emitter-appended) ---
"""Pipeline reference for scband-rate-array-source-2645699854846 (READ-ONLY COPY).

The authoritative reference and input builder live on the scoring server;
editing this copy changes nothing except your own understanding.
"""

import jax, jax.numpy as jnp
import numpy as np


def _make_tables():
    ib_list = jnp.array([0.0, 0.25, 0.5, 0.75, 1.0], dtype=jnp.float32)
    i = jnp.arange(5, dtype=jnp.float32)[:, None]
    j = jnp.arange(9, dtype=jnp.float32)[None, :]
    g_array = 0.1 * i + 0.05 * j  # [H=5 (ib axis), W=9 (phi axis)]
    return ib_list, g_array


def setup_inputs(seed: int = 0) -> dict:
    key = jax.random.key(seed)
    k1, k2 = jax.random.split(key)
    phi = jax.random.normal(k1, (16384, 1024), dtype=jnp.float32)
    squid_current = jax.random.uniform(k2, (16384, 1024), dtype=jnp.float32)
    ib_list, g_array = _make_tables()
    return {"phi": phi, "squid_current": squid_current, "g_table": g_array, "ib_list": ib_list}


def reference(phi, squid_current, g_table, ib_list):
    # Faithful port of RateArraySource._interpolate (bilinear grid_sample,
    # align_corners=True; coordinates are in-range so zero-padding never
    # triggers, making the manual bilinear gather exactly equivalent).
    ib_min = ib_list[0]
    ib_max = ib_list[-1]
    phi_mod = jnp.remainder(phi, 1.0)
    phi_eff = jnp.minimum(phi_mod, 1.0 - phi_mod)
    norm_phi = 4.0 * phi_eff - 1.0
    norm_ib = 2.0 * ((squid_current - ib_min) / (ib_max - ib_min)) - 1.0
    H, W = g_table.shape
    x = jnp.clip((norm_phi + 1.0) * 0.5 * (W - 1), 0.0, float(W - 1))
    y = jnp.clip((norm_ib + 1.0) * 0.5 * (H - 1), 0.0, float(H - 1))
    x0 = jnp.floor(x).astype(jnp.int32)
    y0 = jnp.floor(y).astype(jnp.int32)
    x1 = jnp.minimum(x0 + 1, W - 1)
    y1 = jnp.minimum(y0 + 1, H - 1)
    fx = x - x0.astype(jnp.float32)
    fy = y - y0.astype(jnp.float32)
    g00 = g_table[y0, x0]
    g01 = g_table[y0, x1]
    g10 = g_table[y1, x0]
    g11 = g_table[y1, x1]
    out = (g00 * (1.0 - fx) * (1.0 - fy)
           + g01 * fx * (1.0 - fy)
           + g10 * (1.0 - fx) * fy
           + g11 * fx * fy)
    return out

if __name__ == "__main__":
    import jax
    _d = setup_inputs()
    print(jax.jit(kernel)(*tuple(_d.values())))

</pallas_src>

<mosaic_0001>
#map = affine_map<(d0, d1) -> (0, 0)>
#map1 = affine_map<(d0, d1) -> (0)>
module attributes {stable_mosaic.version = 14 : i64} {
  func.func @_body(%arg0: i32, %arg1: i32, %arg2: memref<16384x1024xf32, #tpu.memory_space<hbm>>, %arg3: memref<16384x1024xf32, #tpu.memory_space<hbm>>, %arg4: memref<4x32xf32, #tpu.memory_space<hbm>>, %arg5: memref<32xf32, #tpu.memory_space<hbm>>, %arg6: memref<16384x1024xf32, #tpu.memory_space<hbm>>, %arg7: memref<4x32xf32, #tpu.memory_space<vmem>>, %arg8: memref<32xf32, #tpu.memory_space<vmem>>, %arg9: memref<16x1024xf32, #tpu.memory_space<vmem>>, %arg10: memref<16x1024xf32, #tpu.memory_space<vmem>>, %arg11: memref<16x1024xf32, #tpu.memory_space<vmem>>, %arg12: memref<16x1024xf32, #tpu.memory_space<vmem>>, %arg13: memref<16x1024xf32, #tpu.memory_space<vmem>>, %arg14: memref<16x1024xf32, #tpu.memory_space<vmem>>, %arg15: memref<!tpu.dma_semaphore, #tpu.memory_space<semaphore_mem>>, %arg16: memref<!tpu.dma_semaphore, #tpu.memory_space<semaphore_mem>>, %arg17: memref<!tpu.dma_semaphore, #tpu.memory_space<semaphore_mem>>, %arg18: memref<!tpu.dma_semaphore, #tpu.memory_space<semaphore_mem>>) attributes {dimension_semantics = [#tpu.dimension_semantics<core_parallel>, #tpu.dimension_semantics<subcore_parallel>], iteration_bounds = array<i64: 2, 16>, scalar_prefetch = 0 : i64, scratch_operands = 12 : i64, tpu.core_type = #tpu.core_type<sc_vector_subcore>, window_params = [{transform_indices = #map}, {transform_indices = #map}, {transform_indices = #map}, {transform_indices = #map1}, {transform_indices = #map}]} {
    %mul3A = arith.constant 2 : i32
    %mul3A_0 = arith.muli %arg1, %mul3A : i32
    %add3A = arith.addi %mul3A_0, %arg0 : i32
    %mul3A_1 = arith.constant 512 : i32
    %mul3A_2 = arith.muli %add3A, %mul3A_1 : i32
    "tpu.region"() ({
      %run_scoped3A = tpu.sem_alloc : memref<!tpu.dma_semaphore, #tpu.memory_space<semaphore_mem>>
      tpu.enqueue_dma source(%arg4 : memref<4x32xf32, #tpu.memory_space<hbm>>) target(%arg7 : memref<4x32xf32, #tpu.memory_space<vmem>>) target_semaphore(%run_scoped3A : memref<!tpu.dma_semaphore, #tpu.memory_space<semaphore_mem>>)
      tpu.wait_dma2 semaphore(%run_scoped3A : memref<!tpu.dma_semaphore, #tpu.memory_space<semaphore_mem>>) src(%arg4 : memref<4x32xf32, #tpu.memory_space<hbm>>) dst(%arg7 : memref<4x32xf32, #tpu.memory_space<vmem>>)
      tpu.yield
    }) : () -> ()
    "tpu.region"() ({
      %run_scoped3A = tpu.sem_alloc : memref<!tpu.dma_semaphore, #tpu.memory_space<semaphore_mem>>
      tpu.enqueue_dma source(%arg5 : memref<32xf32, #tpu.memory_space<hbm>>) target(%arg8 : memref<32xf32, #tpu.memory_space<vmem>>) target_semaphore(%run_scoped3A : memref<!tpu.dma_semaphore, #tpu.memory_space<semaphore_mem>>)
      tpu.wait_dma2 semaphore(%run_scoped3A : memref<!tpu.dma_semaphore, #tpu.memory_space<semaphore_mem>>) src(%arg5 : memref<32xf32, #tpu.memory_space<hbm>>) dst(%arg8 : memref<32xf32, #tpu.memory_space<vmem>>)
      tpu.yield
    }) : () -> ()
    %get3A = arith.constant 0 : index
    %get3A_3 = tpu.vector_load %arg8[%get3A] {strides = array<i32>} : memref<32xf32, #tpu.memory_space<vmem>>, vector<16xf32>,
    %get3A_4 = arith.constant 16 : index
    %get3A_5 = tpu.vector_load %arg8[%get3A_4] {strides = array<i32>} : memref<32xf32, #tpu.memory_space<vmem>>, vector<16xf32>,
    %add3A_6 = arith.constant 0 : i32
    %add3A_7 = arith.addi %mul3A_2, %add3A_6 : i32
    %dma_start3A = arith.constant 0 : i32
    %dma_start3A_8 = tpu.memref_slice %arg2[%add3A_7, %dma_start3A] : memref<16384x1024xf32, #tpu.memory_space<hbm>> -> memref<16x1024xf32, #tpu.memory_space<hbm>>
    %dma_start3A_9 = arith.constant 0 : i32
    %dma_start3A_10 = tpu.memref_slice %arg2[%add3A_7, %dma_start3A_9] : memref<16384x1024xf32, #tpu.memory_space<hbm>> -> memref<16x1024xf32, #tpu.memory_space<hbm>>
    tpu.enqueue_dma source(%dma_start3A_10 : memref<16x1024xf32, #tpu.memory_space<hbm>>) target(%arg9 : memref<16x1024xf32, #tpu.memory_space<vmem>>) target_semaphore(%arg15 : memref<!tpu.dma_semaphore, #tpu.memory_space<semaphore_mem>>)
    %dma_start3A_11 = arith.constant 0 : i32
    %dma_start3A_12 = tpu.memref_slice %arg3[%add3A_7, %dma_start3A_11] : memref<16384x1024xf32, #tpu.memory_space<hbm>> -> memref<16x1024xf32, #tpu.memory_space<hbm>>
    %dma_start3A_13 = arith.constant 0 : i32
    %dma_start3A_14 = tpu.memref_slice %arg3[%add3A_7, %dma_start3A_13] : memref<16384x1024xf32, #tpu.memory_space<hbm>> -> memref<16x1024xf32, #tpu.memory_space<hbm>>
    tpu.enqueue_dma source(%dma_start3A_14 : memref<16x1024xf32, #tpu.memory_space<hbm>>) target(%arg11 : memref<16x1024xf32, #tpu.memory_space<vmem>>) target_semaphore(%arg15 : memref<!tpu.dma_semaphore, #tpu.memory_space<semaphore_mem>>)
    %add3A_15 = arith.constant 16 : i32
    %add3A_16 = arith.addi %mul3A_2, %add3A_15 : i32
    %dma_start3A_17 = arith.constant 0 : i32
    %dma_start3A_18 = tpu.memref_slice %arg2[%add3A_16, %dma_start3A_17] : memref<16384x1024xf32, #tpu.memory_space<hbm>> -> memref<16x1024xf32, #tpu.memory_space<hbm>>
    %dma_start3A_19 = arith.constant 0 : i32
    %dma_start3A_20 = tpu.memref_slice %arg2[%add3A_16, %dma_start3A_19] : memref<16384x1024xf32, #tpu.memory_space<hbm>> -> memref<16x1024xf32, #tpu.memory_space<hbm>>
    tpu.enqueue_dma source(%dma_start3A_20 : memref<16x1024xf32, #tpu.memory_space<hbm>>) target(%arg10 : memref<16x1024xf32, #tpu.memory_space<vmem>>) target_semaphore(%arg16 : memref<!tpu.dma_semaphore, #tpu.memory_space<semaphore_mem>>)
    %dma_start3A_21 = arith.constant 0 : i32
    %dma_start3A_22 = tpu.memref_slice %arg3[%add3A_16, %dma_start3A_21] : memref<16384x1024xf32, #tpu.memory_space<hbm>> -> memref<16x1024xf32, #tpu.memory_space<hbm>>
    %dma_start3A_23 = arith.constant 0 : i32
    %dma_start3A_24 = tpu.memref_slice %arg3[%add3A_16, %dma_start3A_23] : memref<16384x1024xf32, #tpu.memory_space<hbm>> -> memref<16x1024xf32, #tpu.memory_space<hbm>>
    tpu.enqueue_dma source(%dma_start3A_24 : memref<16x1024xf32, #tpu.memory_space<hbm>>) target(%arg12 : memref<16x1024xf32, #tpu.memory_space<vmem>>) target_semaphore(%arg16 : memref<!tpu.dma_semaphore, #tpu.memory_space<semaphore_mem>>)
    %scan3A = arith.constant 0 : i32
    %scan3A_25 = arith.constant 0 : i32
    %scan3A_26 = arith.constant 1 : i32
    %scan3A_27 = arith.constant 2 : i32
    %scan3A_28 = arith.constant 3 : i32
    %scan3A_29 = arith.constant 0 : i32
    %scan3A_30 = arith.constant 16 : i32
    %scan3A_31 = arith.addi %scan3A_29, %scan3A_30 : i32
    %scan3A_32 = arith.constant 1 : i32
    scf.for %scan3A_45 = %scan3A_29 to %scan3A_31 step %scan3A_32  : i32 {
      %mul3A_46 = arith.constant 2 : i32
      %mul3A_47 = arith.muli %scan3A_45, %mul3A_46 : i32
      %add3A_48 = arith.constant 0 : i32
      %add3A_49 = arith.addi %mul3A_47, %add3A_48 : i32
      %mul3A_50 = arith.constant 16 : i32
      %mul3A_51 = arith.muli %add3A_49, %mul3A_50 : i32
      %add3A_52 = arith.addi %mul3A_2, %mul3A_51 : i32
      %dma_wait3A_53 = arith.constant 0 : i32
      %dma_wait3A_54 = tpu.memref_slice %arg2[%add3A_52, %dma_wait3A_53] : memref<16384x1024xf32, #tpu.memory_space<hbm>> -> memref<16x1024xf32, #tpu.memory_space<hbm>>
      %dma_wait3A_55 = arith.constant 0 : i32
      %dma_wait3A_56 = tpu.memref_slice %arg2[%add3A_52, %dma_wait3A_55] : memref<16384x1024xf32, #tpu.memory_space<hbm>> -> memref<16x1024xf32, #tpu.memory_space<hbm>>
      tpu.wait_dma2 semaphore(%arg15 : memref<!tpu.dma_semaphore, #tpu.memory_space<semaphore_mem>>) src(%dma_wait3A_56 : memref<16x1024xf32, #tpu.memory_space<hbm>>) dst(%arg9 : memref<16x1024xf32, #tpu.memory_space<vmem>>)
      %dma_wait3A_57 = arith.constant 0 : i32
      %dma_wait3A_58 = tpu.memref_slice %arg3[%add3A_52, %dma_wait3A_57] : memref<16384x1024xf32, #tpu.memory_space<hbm>> -> memref<16x1024xf32, #tpu.memory_space<hbm>>
      %dma_wait3A_59 = arith.constant 0 : i32
      %dma_wait3A_60 = tpu.memref_slice %arg3[%add3A_52, %dma_wait3A_59] : memref<16384x1024xf32, #tpu.memory_space<hbm>> -> memref<16x1024xf32, #tpu.memory_space<hbm>>
      tpu.wait_dma2 semaphore(%arg15 : memref<!tpu.dma_semaphore, #tpu.memory_space<semaphore_mem>>) src(%dma_wait3A_60 : memref<16x1024xf32, #tpu.memory_space<hbm>>) dst(%arg11 : memref<16x1024xf32, #tpu.memory_space<vmem>>)
      %gt3A = arith.constant 0 : i32
      %gt3A_61 = arith.cmpi sgt, %scan3A_45, %gt3A : i32
      %convert_element_type3A = arith.extui %gt3A_61 : i1 to i32
      %cond3A = arith.constant 0 : i32
      %cond3A_62 = arith.cmpi ne, %convert_element_type3A, %cond3A : i32
      scf.if %cond3A_62 {
        %sub3A = arith.constant 2 : i32
        %sub3A_111 = arith.subi %add3A_49, %sub3A : i32
        %mul3A_112 = arith.constant 16 : i32
        %mul3A_113 = arith.muli %sub3A_111, %mul3A_112 : i32
        %add3A_114 = arith.addi %mul3A_2, %mul3A_113 : i32
        %dma_wait3A_115 = arith.constant 0 : i32
        %dma_wait3A_116 = tpu.memref_slice %arg6[%add3A_114, %dma_wait3A_115] : memref<16384x1024xf32, #tpu.memory_space<hbm>> -> memref<16x1024xf32, #tpu.memory_space<hbm>>
        %dma_wait3A_117 = arith.constant 0 : i32
        %dma_wait3A_118 = tpu.memref_slice %arg6[%add3A_114, %dma_wait3A_117] : memref<16384x1024xf32, #tpu.memory_space<hbm>> -> memref<16x1024xf32, #tpu.memory_space<hbm>>
        tpu.wait_dma2 semaphore(%arg17 : memref<!tpu.dma_semaphore, #tpu.memory_space<semaphore_mem>>) src(%arg13 : memref<16x1024xf32, #tpu.memory_space<vmem>>) dst(%dma_wait3A_118 : memref<16x1024xf32, #tpu.memory_space<hbm>>)
      } else {
      }
      %parallel_loop3A = arith.constant 0 : i32
      %parallel_loop3A_63 = arith.constant 16384 : i32
      %parallel_loop3A_64 = arith.constant 16 : i32
      scf.for %parallel_loop3A_111 = %parallel_loop3A to %parallel_loop3A_63 step %parallel_loop3A_64  : i32 {
        %parallel_loop3A_112 = arith.constant 10 : i32
        %parallel_loop3A_113 = arith.shrui %parallel_loop3A_111, %parallel_loop3A_112 : i32
        %parallel_loop3A_114 = arith.constant 1023 : i32
        %parallel_loop3A_115 = arith.andi %parallel_loop3A_111, %parallel_loop3A_114 : i32
        %parallel_loop3A_116 = arith.index_cast %parallel_loop3A_113 : i32 to index
        %parallel_loop3A_117 = arith.index_cast %parallel_loop3A_115 : i32 to index
        %parallel_loop3A_118 = tpu.vector_load %arg9[%parallel_loop3A_116, %parallel_loop3A_117] {strides = array<i32>} : memref<16x1024xf32, #tpu.memory_space<vmem>>, vector<16xf32>,
        %parallel_loop3A_119 = arith.index_cast %parallel_loop3A_113 : i32 to index
        %parallel_loop3A_120 = arith.index_cast %parallel_loop3A_115 : i32 to index
        %parallel_loop3A_121 = tpu.vector_load %arg11[%parallel_loop3A_119, %parallel_loop3A_120] {strides = array<i32>} : memref<16x1024xf32, #tpu.memory_space<vmem>>, vector<16xf32>,
        %parallel_loop3A_122 = arith.fptosi %parallel_loop3A_118 : vector<16xf32> to vector<16xi32>
        %parallel_loop3A_123 = arith.sitofp %parallel_loop3A_122 : vector<16xi32> to vector<16xf32>
        %parallel_loop3A_124 = arith.subf %parallel_loop3A_118, %parallel_loop3A_123 : vector<16xf32>
        %parallel_loop3A_125 = math.absf %parallel_loop3A_124 : vector<16xf32>
        %parallel_loop3A_126 = arith.constant 1.000000e+00 : f32
        %parallel_loop3A_127 = vector.broadcast %parallel_loop3A_126 : f32 to vector<16xf32>
        %parallel_loop3A_128 = arith.subf %parallel_loop3A_127, %parallel_loop3A_125 : vector<16xf32>
        %parallel_loop3A_129 = arith.minimumf %parallel_loop3A_125, %parallel_loop3A_128 : vector<16xf32>
        %parallel_loop3A_130 = arith.constant 1.600000e+01 : f32
        %parallel_loop3A_131 = vector.broadcast %parallel_loop3A_130 : f32 to vector<16xf32>
        %parallel_loop3A_132 = arith.mulf %parallel_loop3A_129, %parallel_loop3A_131 : vector<16xf32>
        %parallel_loop3A_133 = arith.mulf %parallel_loop3A_121, %get3A_5 : vector<16xf32>
        %parallel_loop3A_134 = arith.addf %parallel_loop3A_133, %get3A_3 : vector<16xf32>
        %parallel_loop3A_135 = arith.constant 0.000000e+00 : f32
        %parallel_loop3A_136 = arith.constant 4.000000e+00 : f32
        %parallel_loop3A_137 = vector.broadcast %parallel_loop3A_135 : f32 to vector<16xf32>
        %parallel_loop3A_138 = arith.maximumf %parallel_loop3A_137, %parallel_loop3A_134 : vector<16xf32>
        %parallel_loop3A_139 = vector.broadcast %parallel_loop3A_136 : f32 to vector<16xf32>
        %parallel_loop3A_140 = arith.minimumf %parallel_loop3A_139, %parallel_loop3A_138 : vector<16xf32>
        %parallel_loop3A_141 = arith.fptosi %parallel_loop3A_132 : vector<16xf32> to vector<16xi32>
        %parallel_loop3A_142 = arith.constant 7 : i32
        %parallel_loop3A_143 = vector.broadcast %parallel_loop3A_142 : i32 to vector<16xi32>
        %parallel_loop3A_144 = arith.minsi %parallel_loop3A_141, %parallel_loop3A_143 : vector<16xi32>
        %parallel_loop3A_145 = arith.fptosi %parallel_loop3A_140 : vector<16xf32> to vector<16xi32>
        %parallel_loop3A_146 = arith.constant 3 : i32
        %parallel_loop3A_147 = vector.broadcast %parallel_loop3A_146 : i32 to vector<16xi32>
        %parallel_loop3A_148 = arith.minsi %parallel_loop3A_145, %parallel_loop3A_147 : vector<16xi32>
        %parallel_loop3A_149 = arith.constant 8 : i32
        %parallel_loop3A_150 = vector.broadcast %parallel_loop3A_149 : i32 to vector<16xi32>
        %parallel_loop3A_151 = arith.muli %parallel_loop3A_148, %parallel_loop3A_150 : vector<16xi32>
        %parallel_loop3A_152 = arith.addi %parallel_loop3A_151, %parallel_loop3A_144 : vector<16xi32>
        %parallel_loop3A_153 = arith.constant 0 : i32
        %parallel_loop3A_154 = tpu.memref_slice %arg7[%scan3A_25, %parallel_loop3A_153] : memref<4x32xf32, #tpu.memory_space<vmem>> -> memref<1x32xf32, #tpu.memory_space<vmem>>
        %parallel_loop3A_155 = tpu.memref_squeeze %parallel_loop3A_154 : memref<1x32xf32, #tpu.memory_space<vmem>> -> memref<32xf32, #tpu.memory_space<vmem>>
        %parallel_loop3A_156 = tpu.vector_load_idx %parallel_loop3A_155[%parallel_loop3A_152] : memref<32xf32, #tpu.memory_space<vmem>>[vector<16xi32>], vector<16xf32>,
        %parallel_loop3A_157 = arith.constant 0 : i32
        %parallel_loop3A_158 = tpu.memref_slice %arg7[%scan3A_26, %parallel_loop3A_157] : memref<4x32xf32, #tpu.memory_space<vmem>> -> memref<1x32xf32, #tpu.memory_space<vmem>>
        %parallel_loop3A_159 = tpu.memref_squeeze %parallel_loop3A_158 : memref<1x32xf32, #tpu.memory_space<vmem>> -> memref<32xf32, #tpu.memory_space<vmem>>
        %parallel_loop3A_160 = tpu.vector_load_idx %parallel_loop3A_159[%parallel_loop3A_152] : memref<32xf32, #tpu.memory_space<vmem>>[vector<16xi32>], vector<16xf32>,
        %parallel_loop3A_161 = arith.constant 0 : i32
        %parallel_loop3A_162 = tpu.memref_slice %arg7[%scan3A_27, %parallel_loop3A_161] : memref<4x32xf32, #tpu.memory_space<vmem>> -> memref<1x32xf32, #tpu.memory_space<vmem>>
        %parallel_loop3A_163 = tpu.memref_squeeze %parallel_loop3A_162 : memref<1x32xf32, #tpu.memory_space<vmem>> -> memref<32xf32, #tpu.memory_space<vmem>>
        %parallel_loop3A_164 = tpu.vector_load_idx %parallel_loop3A_163[%parallel_loop3A_152] : memref<32xf32, #tpu.memory_space<vmem>>[vector<16xi32>], vector<16xf32>,
        %parallel_loop3A_165 = arith.constant 0 : i32
        %parallel_loop3A_166 = tpu.memref_slice %arg7[%scan3A_28, %parallel_loop3A_165] : memref<4x32xf32, #tpu.memory_space<vmem>> -> memref<1x32xf32, #tpu.memory_space<vmem>>
        %parallel_loop3A_167 = tpu.memref_squeeze %parallel_loop3A_166 : memref<1x32xf32, #tpu.memory_space<vmem>> -> memref<32xf32, #tpu.memory_space<vmem>>
        %parallel_loop3A_168 = tpu.vector_load_idx %parallel_loop3A_167[%parallel_loop3A_152] : memref<32xf32, #tpu.memory_space<vmem>>[vector<16xi32>], vector<16xf32>,
        %parallel_loop3A_169 = arith.mulf %parallel_loop3A_160, %parallel_loop3A_132 : vector<16xf32>
        %parallel_loop3A_170 = arith.addf %parallel_loop3A_156, %parallel_loop3A_169 : vector<16xf32>
        %parallel_loop3A_171 = arith.mulf %parallel_loop3A_164, %parallel_loop3A_140 : vector<16xf32>
        %parallel_loop3A_172 = arith.addf %parallel_loop3A_170, %parallel_loop3A_171 : vector<16xf32>
        %parallel_loop3A_173 = arith.mulf %parallel_loop3A_132, %parallel_loop3A_140 : vector<16xf32>
        %parallel_loop3A_174 = arith.mulf %parallel_loop3A_168, %parallel_loop3A_173 : vector<16xf32>
        %parallel_loop3A_175 = arith.addf %parallel_loop3A_172, %parallel_loop3A_174 : vector<16xf32>
        %parallel_loop3A_176 = arith.index_cast %parallel_loop3A_113 : i32 to index
        %parallel_loop3A_177 = arith.index_cast %parallel_loop3A_115 : i32 to index
        %parallel_loop3A_178 = tpu.vector_load %arg13[%parallel_loop3A_176, %parallel_loop3A_177] {strides = array<i32>} : memref<16x1024xf32, #tpu.memory_space<vmem>>, vector<16xf32>,
        tpu.vector_store %arg13[%parallel_loop3A_176, %parallel_loop3A_177], %parallel_loop3A_175 {strides = array<i32>} : memref<16x1024xf32, #tpu.memory_space<vmem>>, vector<16xf32>,
      } {sc.loop_unroll_factor = 4 : i64, sc.parallel_access}
      %mul3A_65 = arith.constant 16 : i32
      %mul3A_66 = arith.muli %add3A_49, %mul3A_65 : i32
      %add3A_67 = arith.addi %mul3A_2, %mul3A_66 : i32
      %dma_start3A_68 = arith.constant 0 : i32
      %dma_start3A_69 = tpu.memref_slice %arg6[%add3A_67, %dma_start3A_68] : memref<16384x1024xf32, #tpu.memory_space<hbm>> -> memref<16x1024xf32, #tpu.memory_space<hbm>>
      %dma_start3A_70 = arith.constant 0 : i32
      %dma_start3A_71 = tpu.memref_slice %arg6[%add3A_67, %dma_start3A_70] : memref<16384x1024xf32, #tpu.memory_space<hbm>> -> memref<16x1024xf32, #tpu.memory_space<hbm>>
      tpu.enqueue_dma source(%arg13 : memref<16x1024xf32, #tpu.memory_space<vmem>>) target(%dma_start3A_71 : memref<16x1024xf32, #tpu.memory_space<hbm>>) target_semaphore(%arg17 : memref<!tpu.dma_semaphore, #tpu.memory_space<semaphore_mem>>)
      %lt3A = arith.constant 15 : i32
      %lt3A_72 = arith.cmpi slt, %scan3A_45, %lt3A : i32
      %convert_element_type3A_73 = arith.extui %lt3A_72 : i1 to i32
      %cond3A_74 = arith.constant 0 : i32
      %cond3A_75 = arith.cmpi ne, %convert_element_type3A_73, %cond3A_74 : i32
      scf.if %cond3A_75 {
        %add3A_111 = arith.constant 2 : i32
        %add3A_112 = arith.addi %add3A_49, %add3A_111 : i32
        %mul3A_113 = arith.constant 16 : i32
        %mul3A_114 = arith.muli %add3A_112, %mul3A_113 : i32
        %add3A_115 = arith.addi %mul3A_2, %mul3A_114 : i32
        %dma_start3A_116 = arith.constant 0 : i32
        %dma_start3A_117 = tpu.memref_slice %arg2[%add3A_115, %dma_start3A_116] : memref<16384x1024xf32, #tpu.memory_space<hbm>> -> memref<16x1024xf32, #tpu.memory_space<hbm>>
        %dma_start3A_118 = arith.constant 0 : i32
        %dma_start3A_119 = tpu.memref_slice %arg2[%add3A_115, %dma_start3A_118] : memref<16384x1024xf32, #tpu.memory_space<hbm>> -> memref<16x1024xf32, #tpu.memory_space<hbm>>
        tpu.enqueue_dma source(%dma_start3A_119 : memref<16x1024xf32, #tpu.memory_space<hbm>>) target(%arg9 : memref<16x1024xf32, #tpu.memory_space<vmem>>) target_semaphore(%arg15 : memref<!tpu.dma_semaphore, #tpu.memory_space<semaphore_mem>>)
        %dma_start3A_120 = arith.constant 0 : i32
        %dma_start3A_121 = tpu.memref_slice %arg3[%add3A_115, %dma_start3A_120] : memref<16384x1024xf32, #tpu.memory_space<hbm>> -> memref<16x1024xf32, #tpu.memory_space<hbm>>
        %dma_start3A_122 = arith.constant 0 : i32
        %dma_start3A_123 = tpu.memref_slice %arg3[%add3A_115, %dma_start3A_122] : memref<16384x1024xf32, #tpu.memory_space<hbm>> -> memref<16x1024xf32, #tpu.memory_space<hbm>>
        tpu.enqueue_dma source(%dma_start3A_123 : memref<16x1024xf32, #tpu.memory_space<hbm>>) target(%arg11 : memref<16x1024xf32, #tpu.memory_space<vmem>>) target_semaphore(%arg15 : memref<!tpu.dma_semaphore, #tpu.memory_space<semaphore_mem>>)
      } else {
      }
      %mul3A_76 = arith.constant 2 : i32
      %mul3A_77 = arith.muli %scan3A_45, %mul3A_76 : i32
      %add3A_78 = arith.constant 1 : i32
      %add3A_79 = arith.addi %mul3A_77, %add3A_78 : i32
      %mul3A_80 = arith.constant 16 : i32
      %mul3A_81 = arith.muli %add3A_79, %mul3A_80 : i32
      %add3A_82 = arith.addi %mul3A_2, %mul3A_81 : i32
      %dma_wait3A_83 = arith.constant 0 : i32
      %dma_wait3A_84 = tpu.memref_slice %arg2[%add3A_82, %dma_wait3A_83] : memref<16384x1024xf32, #tpu.memory_space<hbm>> -> memref<16x1024xf32, #tpu.memory_space<hbm>>
      %dma_wait3A_85 = arith.constant 0 : i32
      %dma_wait3A_86 = tpu.memref_slice %arg2[%add3A_82, %dma_wait3A_85] : memref<16384x1024xf32, #tpu.memory_space<hbm>> -> memref<16x1024xf32, #tpu.memory_space<hbm>>
      tpu.wait_dma2 semaphore(%arg16 : memref<!tpu.dma_semaphore, #tpu.memory_space<semaphore_mem>>) src(%dma_wait3A_86 : memref<16x1024xf32, #tpu.memory_space<hbm>>) dst(%arg10 : memref<16x1024xf32, #tpu.memory_space<vmem>>)
      %dma_wait3A_87 = arith.constant 0 : i32
      %dma_wait3A_88 = tpu.memref_slice %arg3[%add3A_82, %dma_wait3A_87] : memref<16384x1024xf32, #tpu.memory_space<hbm>> -> memref<16x1024xf32, #tpu.memory_space<hbm>>
      %dma_wait3A_89 = arith.constant 0 : i32
      %dma_wait3A_90 = tpu.memref_slice %arg3[%add3A_82, %dma_wait3A_89] : memref<16384x1024xf32, #tpu.memory_space<hbm>> -> memref<16x1024xf32, #tpu.memory_space<hbm>>
      tpu.wait_dma2 semaphore(%arg16 : memref<!tpu.dma_semaphore, #tpu.memory_space<semaphore_mem>>) src(%dma_wait3A_90 : memref<16x1024xf32, #tpu.memory_space<hbm>>) dst(%arg12 : memref<16x1024xf32, #tpu.memory_space<vmem>>)
      %gt3A_91 = arith.constant 0 : i32
      %gt3A_92 = arith.cmpi sgt, %scan3A_45, %gt3A_91 : i32
      %convert_element_type3A_93 = arith.extui %gt3A_92 : i1 to i32
      %cond3A_94 = arith.constant 0 : i32
      %cond3A_95 = arith.cmpi ne, %convert_element_type3A_93, %cond3A_94 : i32
      scf.if %cond3A_95 {
        %sub3A = arith.constant 2 : i32
        %sub3A_111 = arith.subi %add3A_79, %sub3A : i32
        %mul3A_112 = arith.constant 16 : i32
        %mul3A_113 = arith.muli %sub3A_111, %mul3A_112 : i32
        %add3A_114 = arith.addi %mul3A_2, %mul3A_113 : i32
        %dma_wait3A_115 = arith.constant 0 : i32
        %dma_wait3A_116 = tpu.memref_slice %arg6[%add3A_114, %dma_wait3A_115] : memref<16384x1024xf32, #tpu.memory_space<hbm>> -> memref<16x1024xf32, #tpu.memory_space<hbm>>
        %dma_wait3A_117 = arith.constant 0 : i32
        %dma_wait3A_118 = tpu.memref_slice %arg6[%add3A_114, %dma_wait3A_117] : memref<16384x1024xf32, #tpu.memory_space<hbm>> -> memref<16x1024xf32, #tpu.memory_space<hbm>>
        tpu.wait_dma2 semaphore(%arg18 : memref<!tpu.dma_semaphore, #tpu.memory_space<semaphore_mem>>) src(%arg14 : memref<16x1024xf32, #tpu.memory_space<vmem>>) dst(%dma_wait3A_118 : memref<16x1024xf32, #tpu.memory_space<hbm>>)
      } else {
      }
      %parallel_loop3A_96 = arith.constant 0 : i32
      %parallel_loop3A_97 = arith.constant 16384 : i32
      %parallel_loop3A_98 = arith.constant 16 : i32
      scf.for %parallel_loop3A_111 = %parallel_loop3A_96 to %parallel_loop3A_97 step %parallel_loop3A_98  : i32 {
        %parallel_loop3A_112 = arith.constant 10 : i32
        %parallel_loop3A_113 = arith.shrui %parallel_loop3A_111, %parallel_loop3A_112 : i32
        %parallel_loop3A_114 = arith.constant 1023 : i32
        %parallel_loop3A_115 = arith.andi %parallel_loop3A_111, %parallel_loop3A_114 : i32
        %parallel_loop3A_116 = arith.index_cast %parallel_loop3A_113 : i32 to index
        %parallel_loop3A_117 = arith.index_cast %parallel_loop3A_115 : i32 to index
        %parallel_loop3A_118 = tpu.vector_load %arg10[%parallel_loop3A_116, %parallel_loop3A_117] {strides = array<i32>} : memref<16x1024xf32, #tpu.memory_space<vmem>>, vector<16xf32>,
        %parallel_loop3A_119 = arith.index_cast %parallel_loop3A_113 : i32 to index
        %parallel_loop3A_120 = arith.index_cast %parallel_loop3A_115 : i32 to index
        %parallel_loop3A_121 = tpu.vector_load %arg12[%parallel_loop3A_119, %parallel_loop3A_120] {strides = array<i32>} : memref<16x1024xf32, #tpu.memory_space<vmem>>, vector<16xf32>,
        %parallel_loop3A_122 = arith.fptosi %parallel_loop3A_118 : vector<16xf32> to vector<16xi32>
        %parallel_loop3A_123 = arith.sitofp %parallel_loop3A_122 : vector<16xi32> to vector<16xf32>
        %parallel_loop3A_124 = arith.subf %parallel_loop3A_118, %parallel_loop3A_123 : vector<16xf32>
        %parallel_loop3A_125 = math.absf %parallel_loop3A_124 : vector<16xf32>
        %parallel_loop3A_126 = arith.constant 1.000000e+00 : f32
        %parallel_loop3A_127 = vector.broadcast %parallel_loop3A_126 : f32 to vector<16xf32>
        %parallel_loop3A_128 = arith.subf %parallel_loop3A_127, %parallel_loop3A_125 : vector<16xf32>
        %parallel_loop3A_129 = arith.minimumf %parallel_loop3A_125, %parallel_loop3A_128 : vector<16xf32>
        %parallel_loop3A_130 = arith.constant 1.600000e+01 : f32
        %parallel_loop3A_131 = vector.broadcast %parallel_loop3A_130 : f32 to vector<16xf32>
        %parallel_loop3A_132 = arith.mulf %parallel_loop3A_129, %parallel_loop3A_131 : vector<16xf32>
        %parallel_loop3A_133 = arith.mulf %parallel_loop3A_121, %get3A_5 : vector<16xf32>
        %parallel_loop3A_134 = arith.addf %parallel_loop3A_133, %get3A_3 : vector<16xf32>
        %parallel_loop3A_135 = arith.constant 0.000000e+00 : f32
        %parallel_loop3A_136 = arith.constant 4.000000e+00 : f32
        %parallel_loop3A_137 = vector.broadcast %parallel_loop3A_135 : f32 to vector<16xf32>
        %parallel_loop3A_138 = arith.maximumf %parallel_loop3A_137, %parallel_loop3A_134 : vector<16xf32>
        %parallel_loop3A_139 = vector.broadcast %parallel_loop3A_136 : f32 to vector<16xf32>
        %parallel_loop3A_140 = arith.minimumf %parallel_loop3A_139, %parallel_loop3A_138 : vector<16xf32>
        %parallel_loop3A_141 = arith.fptosi %parallel_loop3A_132 : vector<16xf32> to vector<16xi32>
        %parallel_loop3A_142 = arith.constant 7 : i32
        %parallel_loop3A_143 = vector.broadcast %parallel_loop3A_142 : i32 to vector<16xi32>
        %parallel_loop3A_144 = arith.minsi %parallel_loop3A_141, %parallel_loop3A_143 : vector<16xi32>
        %parallel_loop3A_145 = arith.fptosi %parallel_loop3A_140 : vector<16xf32> to vector<16xi32>
        %parallel_loop3A_146 = arith.constant 3 : i32
        %parallel_loop3A_147 = vector.broadcast %parallel_loop3A_146 : i32 to vector<16xi32>
        %parallel_loop3A_148 = arith.minsi %parallel_loop3A_145, %parallel_loop3A_147 : vector<16xi32>
        %parallel_loop3A_149 = arith.constant 8 : i32
        %parallel_loop3A_150 = vector.broadcast %parallel_loop3A_149 : i32 to vector<16xi32>
        %parallel_loop3A_151 = arith.muli %parallel_loop3A_148, %parallel_loop3A_150 : vector<16xi32>
        %parallel_loop3A_152 = arith.addi %parallel_loop3A_151, %parallel_loop3A_144 : vector<16xi32>
        %parallel_loop3A_153 = arith.constant 0 : i32
        %parallel_loop3A_154 = tpu.memref_slice %arg7[%scan3A_25, %parallel_loop3A_153] : memref<4x32xf32, #tpu.memory_space<vmem>> -> memref<1x32xf32, #tpu.memory_space<vmem>>
        %parallel_loop3A_155 = tpu.memref_squeeze %parallel_loop3A_154 : memref<1x32xf32, #tpu.memory_space<vmem>> -> memref<32xf32, #tpu.memory_space<vmem>>
        %parallel_loop3A_156 = tpu.vector_load_idx %parallel_loop3A_155[%parallel_loop3A_152] : memref<32xf32, #tpu.memory_space<vmem>>[vector<16xi32>], vector<16xf32>,
        %parallel_loop3A_157 = arith.constant 0 : i32
        %parallel_loop3A_158 = tpu.memref_slice %arg7[%scan3A_26, %parallel_loop3A_157] : memref<4x32xf32, #tpu.memory_space<vmem>> -> memref<1x32xf32, #tpu.memory_space<vmem>>
        %parallel_loop3A_159 = tpu.memref_squeeze %parallel_loop3A_158 : memref<1x32xf32, #tpu.memory_space<vmem>> -> memref<32xf32, #tpu.memory_space<vmem>>
        %parallel_loop3A_160 = tpu.vector_load_idx %parallel_loop3A_159[%parallel_loop3A_152] : memref<32xf32, #tpu.memory_space<vmem>>[vector<16xi32>], vector<16xf32>,
        %parallel_loop3A_161 = arith.constant 0 : i32
        %parallel_loop3A_162 = tpu.memref_slice %arg7[%scan3A_27, %parallel_loop3A_161] : memref<4x32xf32, #tpu.memory_space<vmem>> -> memref<1x32xf32, #tpu.memory_space<vmem>>
        %parallel_loop3A_163 = tpu.memref_squeeze %parallel_loop3A_162 : memref<1x32xf32, #tpu.memory_space<vmem>> -> memref<32xf32, #tpu.memory_space<vmem>>
        %parallel_loop3A_164 = tpu.vector_load_idx %parallel_loop3A_163[%parallel_loop3A_152] : memref<32xf32, #tpu.memory_space<vmem>>[vector<16xi32>], vector<16xf32>,
        %parallel_loop3A_165 = arith.constant 0 : i32
        %parallel_loop3A_166 = tpu.memref_slice %arg7[%scan3A_28, %parallel_loop3A_165] : memref<4x32xf32, #tpu.memory_space<vmem>> -> memref<1x32xf32, #tpu.memory_space<vmem>>
        %parallel_loop3A_167 = tpu.memref_squeeze %parallel_loop3A_166 : memref<1x32xf32, #tpu.memory_space<vmem>> -> memref<32xf32, #tpu.memory_space<vmem>>
        %parallel_loop3A_168 = tpu.vector_load_idx %parallel_loop3A_167[%parallel_loop3A_152] : memref<32xf32, #tpu.memory_space<vmem>>[vector<16xi32>], vector<16xf32>,
        %parallel_loop3A_169 = arith.mulf %parallel_loop3A_160, %parallel_loop3A_132 : vector<16xf32>
        %parallel_loop3A_170 = arith.addf %parallel_loop3A_156, %parallel_loop3A_169 : vector<16xf32>
        %parallel_loop3A_171 = arith.mulf %parallel_loop3A_164, %parallel_loop3A_140 : vector<16xf32>
        %parallel_loop3A_172 = arith.addf %parallel_loop3A_170, %parallel_loop3A_171 : vector<16xf32>
        %parallel_loop3A_173 = arith.mulf %parallel_loop3A_132, %parallel_loop3A_140 : vector<16xf32>
        %parallel_loop3A_174 = arith.mulf %parallel_loop3A_168, %parallel_loop3A_173 : vector<16xf32>
        %parallel_loop3A_175 = arith.addf %parallel_loop3A_172, %parallel_loop3A_174 : vector<16xf32>
        %parallel_loop3A_176 = arith.index_cast %parallel_loop3A_113 : i32 to index
        %parallel_loop3A_177 = arith.index_cast %parallel_loop3A_115 : i32 to index
        %parallel_loop3A_178 = tpu.vector_load %arg14[%parallel_loop3A_176, %parallel_loop3A_177] {strides = array<i32>} : memref<16x1024xf32, #tpu.memory_space<vmem>>, vector<16xf32>,
        tpu.vector_store %arg14[%parallel_loop3A_176, %parallel_loop3A_177], %parallel_loop3A_175 {strides = array<i32>} : memref<16x1024xf32, #tpu.memory_space<vmem>>, vector<16xf32>,
      } {sc.loop_unroll_factor = 4 : i64, sc.parallel_access}
      %mul3A_99 = arith.constant 16 : i32
      %mul3A_100 = arith.muli %add3A_79, %mul3A_99 : i32
      %add3A_101 = arith.addi %mul3A_2, %mul3A_100 : i32
      %dma_start3A_102 = arith.constant 0 : i32
      %dma_start3A_103 = tpu.memref_slice %arg6[%add3A_101, %dma_start3A_102] : memref<16384x1024xf32, #tpu.memory_space<hbm>> -> memref<16x1024xf32, #tpu.memory_space<hbm>>
      %dma_start3A_104 = arith.constant 0 : i32
      %dma_start3A_105 = tpu.memref_slice %arg6[%add3A_101, %dma_start3A_104] : memref<16384x1024xf32, #tpu.memory_space<hbm>> -> memref<16x1024xf32, #tpu.memory_space<hbm>>
      tpu.enqueue_dma source(%arg14 : memref<16x1024xf32, #tpu.memory_space<vmem>>) target(%dma_start3A_105 : memref<16x1024xf32, #tpu.memory_space<hbm>>) target_semaphore(%arg18 : memref<!tpu.dma_semaphore, #tpu.memory_space<semaphore_mem>>)
      %lt3A_106 = arith.constant 15 : i32
      %lt3A_107 = arith.cmpi slt, %scan3A_45, %lt3A_106 : i32
      %convert_element_type3A_108 = arith.extui %lt3A_107 : i1 to i32
      %cond3A_109 = arith.constant 0 : i32
      %cond3A_110 = arith.cmpi ne, %convert_element_type3A_108, %cond3A_109 : i32
      scf.if %cond3A_110 {
        %add3A_111 = arith.constant 2 : i32
        %add3A_112 = arith.addi %add3A_79, %add3A_111 : i32
        %mul3A_113 = arith.constant 16 : i32
        %mul3A_114 = arith.muli %add3A_112, %mul3A_113 : i32
        %add3A_115 = arith.addi %mul3A_2, %mul3A_114 : i32
        %dma_start3A_116 = arith.constant 0 : i32
        %dma_start3A_117 = tpu.memref_slice %arg2[%add3A_115, %dma_start3A_116] : memref<16384x1024xf32, #tpu.memory_space<hbm>> -> memref<16x1024xf32, #tpu.memory_space<hbm>>
        %dma_start3A_118 = arith.constant 0 : i32
        %dma_start3A_119 = tpu.memref_slice %arg2[%add3A_115, %dma_start3A_118] : memref<16384x1024xf32, #tpu.memory_space<hbm>> -> memref<16x1024xf32, #tpu.memory_space<hbm>>
        tpu.enqueue_dma source(%dma_start3A_119 : memref<16x1024xf32, #tpu.memory_space<hbm>>) target(%arg10 : memref<16x1024xf32, #tpu.memory_space<vmem>>) target_semaphore(%arg16 : memref<!tpu.dma_semaphore, #tpu.memory_space<semaphore_mem>>)
        %dma_start3A_120 = arith.constant 0 : i32
        %dma_start3A_121 = tpu.memref_slice %arg3[%add3A_115, %dma_start3A_120] : memref<16384x1024xf32, #tpu.memory_space<hbm>> -> memref<16x1024xf32, #tpu.memory_space<hbm>>
        %dma_start3A_122 = arith.constant 0 : i32
        %dma_start3A_123 = tpu.memref_slice %arg3[%add3A_115, %dma_start3A_122] : memref<16384x1024xf32, #tpu.memory_space<hbm>> -> memref<16x1024xf32, #tpu.memory_space<hbm>>
        tpu.enqueue_dma source(%dma_start3A_123 : memref<16x1024xf32, #tpu.memory_space<hbm>>) target(%arg12 : memref<16x1024xf32, #tpu.memory_space<vmem>>) target_semaphore(%arg16 : memref<!tpu.dma_semaphore, #tpu.memory_space<semaphore_mem>>)
      } else {
      }
    }
    %scan3A_33 = arith.constant 16 : i32
    %add3A_34 = arith.constant 480 : i32
    %add3A_35 = arith.addi %mul3A_2, %add3A_34 : i32
    %dma_wait3A = arith.constant 0 : i32
    %dma_wait3A_36 = tpu.memref_slice %arg6[%add3A_35, %dma_wait3A] : memref<16384x1024xf32, #tpu.memory_space<hbm>> -> memref<16x1024xf32, #tpu.memory_space<hbm>>
    %dma_wait3A_37 = arith.constant 0 : i32
    %dma_wait3A_38 = tpu.memref_slice %arg6[%add3A_35, %dma_wait3A_37] : memref<16384x1024xf32, #tpu.memory_space<hbm>> -> memref<16x1024xf32, #tpu.memory_space<hbm>>
    tpu.wait_dma2 semaphore(%arg17 : memref<!tpu.dma_semaphore, #tpu.memory_space<semaphore_mem>>) src(%arg13 : memref<16x1024xf32, #tpu.memory_space<vmem>>) dst(%dma_wait3A_38 : memref<16x1024xf32, #tpu.memory_space<hbm>>)
    %add3A_39 = arith.constant 496 : i32
    %add3A_40 = arith.addi %mul3A_2, %add3A_39 : i32
    %dma_wait3A_41 = arith.constant 0 : i32
    %dma_wait3A_42 = tpu.memref_slice %arg6[%add3A_40, %dma_wait3A_41] : memref<16384x1024xf32, #tpu.memory_space<hbm>> -> memref<16x1024xf32, #tpu.memory_space<hbm>>
    %dma_wait3A_43 = arith.constant 0 : i32
    %dma_wait3A_44 = tpu.memref_slice %arg6[%add3A_40, %dma_wait3A_43] : memref<16384x1024xf32, #tpu.memory_space<hbm>> -> memref<16x1024xf32, #tpu.memory_space<hbm>>
    tpu.wait_dma2 semaphore(%arg18 : memref<!tpu.dma_semaphore, #tpu.memory_space<semaphore_mem>>) src(%arg14 : memref<16x1024xf32, #tpu.memory_space<vmem>>) dst(%dma_wait3A_44 : memref<16x1024xf32, #tpu.memory_space<hbm>>)
    return
  }
}

</mosaic_0001>

<sc_bundles>
// kernel: _run.3.cloned.1.call-start
scs
__scs_entry_jumppad:
0x0: {  	(pc) =	sbr.rel $0x88, $3  }
0x1: {  	(tag) =	ssettag $0x0;
	lr =	simm.s32 $0x1  }
0x2: {  	[smem:$0x3F9D] =	sst lr;
	_ =	strace $0xD0000000  }
0x3: {  	_ = 	snop  }
0x4: {  	_ = 	snop  }
0x5: {  	_ = 	snop  }
0x6: {  	_ = 	snop  }
0x7: {  	_ = 	snop  }
__scs_overlays_trampoline_lowered:
0x8: {  	[smem:$0x3FAC] =	sst s0  }
0x9: {  	[smem:$0x3FAD] =	sst s1  }
0xa: {  	[smem:$0x3FAE] =	sst s2  }
0xb: {  	[smem:$0x3FAF] =	sst s3  }
0xc: {  	[smem:$0x3FB0] =	sst s4  }
0xd: {  	[smem:$0x3FB1] =	sst s5  }
0xe: {  	[smem:$0x3FB2] =	sst s6  }
0xf: {  	[smem:$0x3FB3] =	sst s7  }
0x10: {  	[smem:$0x3FB4] =	sst s8  }
0x11: {  	[smem:$0x3FB5] =	sst s9;
	s0 =	simm.s32 @!p0 $0x0  }
0x12: {  	s1 =	sld [smem:$0x3F9B];
	s0 =	simm.s32 @p0 $0x1  }
0x13: {  	[smem:$0x3FB6] =	sst s0;
	s0 =	simm.s32 @!p1 $0x0  }
0x14: {  	s2 =	sld [smem:$0x3F9A];
	s0 =	simm.s32 @p1 $0x1  }
0x15: {  	[smem:$0x3FB7] =	sst s0;
	s0 =	simm.s32 @!p2 $0x0  }
0x16: {  	s3 =	sld [smem:$0x3FDB];
	s0 =	simm.s32 @p2 $0x1  }
0x17: {  	s4 =	simm.s32 $0x1BF5;
	[smem:$0x3FB9] =	sst s0  }
0x18: {  	s0 =	sld [smem:$0x3F9C];
	_ =	swait.ge [sflag:s4], $0x0  }
0x19: {  	s7 =	sld [smem:$0x3F9D]  }
0x1a: {  	s8 =	sadd.s32 $0xFFFFE003, lr  }
0x1b: {  	s9 =	sadd.s32 $0xFFFFFEF7, lr;
	s5 =	simm.s32 $0xFFFFFFFF;
	p2 =	slt.u32 s8, $0xFFFFF086  }
0x1c: {  	p1 =	slt.u32 s9, $0xF7A;
	s5 =	simm.s32 @!p2 $0x0  }
0x1d: {  	s5 =	simm.s32 @p1 $0x1;
	p0 =	seq.s32 s7, s2  }
0x1e: {  	s7 =	smul.u32 @!p0 $0xF7A, s2;
	p2 =	seq.s32 @!p0 s5, $0x0  }
0x1f: {  	s9 =	smul.u32 $0xF7A, s1;
	s8 =	simm.s32 @!p0 $0x1BF5;
	p2 =	por !p2, p0  }
0x20: {  	[sflag:s8] =	ssyncset.s32 @!p0 $0xFFFFF086;
	s6 =	sadd.s32 @!p0 s3, s7;
	s7 =	simm.s32 @!p0 $0x108  }
0x21: {  	s3 =	sadd.s32 s3, s9;
	s6 =	sadd.s32 @!p0 $0x88, s6;
	s7 =	simm.s32 @p2 $0x1082  }
0x22: {  	[simem:s7], [sflag:s8] =	dma.local @!p0 [hbm:s6], $0xF7A  }
0x23: {  	s9 =	sor.u32 $0xD0000000, s2;
	s6 =	simm.s32 $0x108;
	_ =	swait.ge @!p0 [sflag:s8], $0x0  }
0x24: {  	s3 =	sadd.s32 $0x88, s3;
	s6 =	simm.s32 @!p1 $0x1082;
	[sflag:s4] =	ssyncset.s32 $0xFFFFF086  }
0x25: {  	[simem:s6], [sflag:s4] =	dma.local [hbm:s3], $0xF7A  }
0x26: {  	[smem:$0x3F9D] =	sst s1;
	(tag) =	ssettag s2;
	_ =	strace s9  }
0x27: {  	s1 =	sld [smem:$0x3FAD]  }
0x28: {  	s2 =	sld [smem:$0x3FAE]  }
0x29: {  	s4 =	sld [smem:$0x3FB0]  }
0x2a: {  	p0 =	seq.s32 s5, $0x0;
	s5 =	sld [smem:$0x3FB1]  }
0x2b: {  	s6 =	sld [smem:$0x3FB2]  }
0x2c: {  	s7 =	sld [smem:$0x3FB3]  }
0x2d: {  	s3 =	simm.s32 $0x108;
	s8 =	sld [smem:$0x3FB4]  }
0x2e: {  	s3 =	simm.s32 @!p0 $0x1082;
	s9 =	sld [smem:$0x3FB5]  }
0x2f: {  	lr =	sadd.s32 s0, s3;
	s0 =	sld [smem:$0x3FAC]  }
0x30: {  	s3 =	sld [smem:$0x3FAF]  }
0x31: {  	[smem:$0x3FB8] =	sst s10  }
0x32: {  	s10 =	sld [smem:$0x3FB6];
	_ =	sdelay $0x3  }
0x33: {  	p0 =	seq.s32 s10, $0x1;
	s10 =	sld [smem:$0x3FB8];
	_ =	sdelay $0x3  }
0x34: {  	[smem:$0x3FB8] =	sst s10  }
0x35: {  	s10 =	sld [smem:$0x3FB7];
	_ =	sdelay $0x3  }
0x36: {  	p1 =	seq.s32 s10, $0x1;
	s10 =	sld [smem:$0x3FB8];
	_ =	sdelay $0x3  }
0x37: {  	[smem:$0x3FB8] =	sst s10  }
0x38: {  	s10 =	sld [smem:$0x3FB9]  }
0x39: {  	_ = 	snop;
	(pc) =	sbr.ind lr, $3  }
0x3a: {  	_ = 	snop  }
0x3b: {  	_ = 	snop  }
0x3c: {  	p2 =	seq.s32 s10, $0x1;
	s10 =	sld [smem:$0x3FB8]  }
0x3d: {  	_ =	shalt  }
0x3e: {  	_ =	shalt  }
0x3f: {  	_ =	shalt  }
0x40: {  	_ =	shalt  }
0x41: {  	_ =	shalt  }
0x42: {  	_ =	shalt  }
0x43: {  	_ =	shalt  }
0x44: {  	_ =	shalt  }
0x45: {  	_ =	shalt  }
0x46: {  	_ =	shalt  }
0x47: {  	_ =	shalt  }
0x48: {  	_ =	shalt  }
0x49: {  	_ =	shalt  }
0x4a: {  	_ =	shalt  }
0x4b: {  	_ =	shalt  }
0x4c: {  	_ =	shalt  }
0x4d: {  	_ =	shalt  }
0x4e: {  	_ =	shalt  }
0x4f: {  	_ =	shalt  }
0x50: {  	_ =	shalt  }
0x51: {  	_ =	shalt  }
0x52: {  	_ =	shalt  }
0x53: {  	_ =	shalt  }
0x54: {  	_ =	shalt  }
0x55: {  	_ =	shalt  }
0x56: {  	_ =	shalt  }
0x57: {  	_ =	shalt  }
0x58: {  	_ =	shalt  }
0x59: {  	_ =	shalt  }
0x5a: {  	_ =	shalt  }
0x5b: {  	_ =	shalt  }
0x5c: {  	_ =	shalt  }
0x5d: {  	_ =	shalt  }
0x5e: {  	_ =	shalt  }
0x5f: {  	_ =	shalt  }
0x60: {  	_ =	shalt  }
0x61: {  	_ =	shalt  }
0x62: {  	_ =	shalt  }
0x63: {  	_ =	shalt  }
0x64: {  	_ =	shalt  }
0x65: {  	_ =	shalt  }
0x66: {  	_ =	shalt  }
0x67: {  	_ =	shalt  }
0x68: {  	_ =	shalt  }
0x69: {  	_ =	shalt  }
0x6a: {  	_ =	shalt  }
0x6b: {  	_ =	shalt  }
0x6c: {  	_ =	shalt  }
0x6d: {  	_ =	shalt  }
0x6e: {  	_ =	shalt  }
0x6f: {  	_ =	shalt  }
0x70: {  	_ =	shalt  }
0x71: {  	_ =	shalt  }
0x72: {  	_ =	shalt  }
0x73: {  	_ =	shalt  }
0x74: {  	_ =	shalt  }
0x75: {  	_ =	shalt  }
0x76: {  	_ =	shalt  }
0x77: {  	_ =	shalt  }
0x78: {  	_ =	shalt  }
0x79: {  	_ =	shalt  }
0x7a: {  	_ =	shalt  }
0x7b: {  	_ =	shalt  }
0x7c: {  	_ =	shalt  }
0x7d: {  	_ =	shalt  }
0x7e: {  	_ =	shalt  }
0x7f: {  	_ =	shalt  }
0x80: {  	_ =	shalt  }
0x81: {  	_ =	shalt  }
0x82: {  	_ =	shalt  }
0x83: {  	_ =	shalt  }
0x84: {  	_ =	shalt  }
0x85: {  	_ =	shalt  }
0x86: {  	_ =	shalt  }
0x87: {  	_ =	shalt  }
.Lfunc_end0:
.L_simem_size_0:
called_computation_lowered:
.L_overlay_start_0:
0x88: {  	s2 =	sld [smem:$0x3FD9]  }
0x89: {  	s3 =	sld [smem:$0x3FFE];
	_ =	sdelay $0x1  }
0x8a: {  	s1 =	srdreg.scid  }
0x8b: {  	s0 =	sand.u32 $0x1, s1  }
0x8c: {  	s18 =	sshll.u32 s0, $0xA;
	s2 =	sadd.s32 s3, s2  }
0x8d: {  	s2 =	sadd.s32 s2, s18  }
0x8e: {  	[smem:$0x3FC4] =	sst s2  }
0x8f: {  	_ = 	snop  }
0x90: {  	s2 =	sld [smem:$0x3FC9]  }
0x91: {  	s19 =	sld [smem:$0x3FC8]  }
0x92: {  	s4 =	sld [smem:$0x3FC7]  }
0x93: {  	s5 =	sld [smem:$0x3FC6]  }
0x94: {  	s6 =	sld [smem:$0x3FD0];
	(tm) =	ssettm $0x1  }
0x95: {  	s7 =	sld [smem:$0x3FFB];
	_ =	sdelay $0x3  }
0x96: {  	_ =	strace s7  }
0x97: {  	s7 =	sld [smem:$0x3FFC];
	_ =	sdelay $0x3  }
0x98: {  	_ =	strace s7  }
0x99: {  	s7 =	sld [smem:$0x3FFD];
	_ =	sdelay $0x3  }
0x9a: {  	_ =	strace s7  }
0x9b: {  	_ =	strace $0x8FFFFFFF  }
0x9c: {  	s20 =	sld [smem:$0x3FDB];
	_ =	sdelay $0x1  }
0x9d: {  	s8 =	simm.s32 $_scs_section_size  }
0x9e: {  	s9 =	simm.s32 $_size__tile_overlayer_lowered;
	s10 =	simm.s32 $_tile_overlayer_lowered  }
0x9f: {  	s23 =	simm.s32 $0x1BFF;
	s22 =	sshll.u32 s10, $0x1;
	s7 =	sadd.s32 s8, s20  }
0xa0: {  	s11 =	simm.s32 $0x0;
	s21 =	sshll.u32 s9, $0x1;
	s9 =	sadd.s32 s22, s7  }
0xa1: {  	[timem:s11], [sflag:s23] =	dma.local [hbm:s9], s21  }
0xa2: {  	_ =	swait.ge [sflag:s23], s21  }
0xa3: {  	s8 =	ssub.s32 $0x0, s21;
	[sflag:s23] =	ssyncset.done $0x0  }
0xa4: {  	[sflag:s23] =	ssyncadd.s32 s8;
	_ =	sdelay $0x1  }
0xa5: {  	s24 =	simm.s32 $0x1B8B  }
0xa6: {  	_ =	swait.ge [sflag:s24], $0x1  }
0xa7: {  	[sflag:s24] =	ssyncset.done $0x0  }
0xa8: {  	s25 =	simm.s32 $0x1B8E;
	[sflag:s24] =	ssyncadd.s32 $0xFFFFFFFF  }
0xa9: {  	s26 =	simm.s32 $execute0_lowered;
	[smem:$0x3FD2] =	sst s25  }
0xaa: {  	s8 =	sshll.u32 s26, $0x1;
	_ =	strace $0x80000046;
	[dreg:$0x1] =	wrdreg $0xFFFFFFFF  }
0xab: {  	s28 =	simm.s32 $_size_execute0_lowered;
	s7 =	sadd.s32 s7, s8;
	[dreg:$0x0] =	wrdreg $0x0  }
0xac: {  	s8 =	sshll.u32 s28, $0x1;
	[dreg:$0x2] =	wrdreg s7  }
0xad: {  	[dreg:$0x3] =	wrdreg s8  }
0xae: {  	[dreg:$0x4] =	wrdreg $0xC0  }
0xaf: {  	_ =	task [dreg:s11], $0x5FFFF  }
0xb0: {  	[dreg:$0x1] =	wrdreg $0xFFFFFFFF  }
0xb1: {  	[dreg:$0x0] =	wrdreg $0x60  }
0xb2: {  	[dreg:$0x2] =	wrdreg s2  }
0xb3: {  	[dreg:$0x3] =	wrdreg s19  }
0xb4: {  	[dreg:$0x4] =	wrdreg s4  }
0xb5: {  	[dreg:$0x5] =	wrdreg s5  }
0xb6: {  	[dreg:$0x6] =	wrdreg s6  }
0xb7: {  	[dreg:$0x7] =	wrdreg $0x9  }
0xb8: {  	_ =	task.clear_ibuf [dreg:s11], $0x8FFFF;
	_ =	strace $0x90000046  }
0xb9: {  	s29 =	simm.s32 $0x9;
	_ =	strace $0x80000048  }
0xba: {  	_ =	swait.ge [sflag:s29], $0x1  }
0xbb: {  	[sflag:s29] =	ssyncadd.s32 $0xFFFFFFFF  }
0xbc: {  	_ =	strace $0x90000048  }
0xbd: {  	_ =	sfence  }
0xbe: {  	s30 =	sld [smem:$0x0];
	_ =	sdelay $0x2  }
0xbf: {  	s31 =	sshll.u32 s1, $0xD;
	s1 =	sshrl.u32 s1, $0x2  }
0xc0: {  	s3 =	sand.u32 $0x4000, s31;
	s1 =	sadd.s32 s1, s30  }
0xc1: {  	s0 =	sor.u32 s3, s0;
	s1 =	sshll.u32 s1, $0x11  }
0xc2: {  	s0 =	sor.u32 s1, s0  }
0xc3: {  	s0 =	sadd.s32 $0x8F2B, s0  }
0xc4: {  	[sflag:s0] =	ssyncadd.remote.s32 $0x1  }
0xc5: {  	_ =	sfence.sel $0xFFFF  }
0xc6: {  	[dreg:$0x0] =	wrdreg $0xFFFFFFFF;
	(pc) =	sbr.abs _section_cstart, $3  }
0xc7: {  	[dreg:$0x1] =	wrdreg $0xFFFFFFFF  }
0xc8: {  	_ =	task.clear_ibuf [dreg:s11], $0x2FFFF;
	_ =	strace $0x9FFFFFFF  }
0xc9: {  	(tm) =	ssettm $0x7FFFFFFF  }
tec
execute0_lowered:
.L_overlay_start_1:
0x0: {  	(tag) =	ssettag $0x1  }
0x1: {  	s0 =	rddreg [dreg:$0x0]  }
0x2: {  	s1 =	rddreg [dreg:$0x1];
	s2 =	srdreg.scid  }
0x3: {  	s6 =	rddreg [dreg:$0x4];
	s3 =	stileid.u32;
	s7 =	simm.s32 $0x0  }
0x4: {  	s17 =	simm.s32 $0x5;
	s21 =	simm.s32 $0x4280;
	s22 =	simm.s32 $0xC280  }
0x5: {  	s23 =	simm.s32 $0x1;
	s28 =	simm.s32 $0x10280;
	s29 =	simm.s32 $0x2  }
0x6: {  	s30 =	simm.s32 $0x14280;
	s2 =	sand.u32 $0x1, s2;
	s3 =	sshll.u32 s3, $0xA  }
0x7: {  	[smem:$0x7FF] =	sst s7;
	s4 =	sshll.u32 s2, $0x9;
	s2 =	ssub.s32 $0x2, s2  }
0x8: {  	_ =	strace $0x80000047;
	s8 =	sor.u32 s4, s3;
	s24 =	sshrl.u32 s2, $0x1  }
0x9: {  	s4 =	sshll.u32 s8, $0x7;
	s2 =	ssub.s32 s2, s24;
	s14 =	sor.u32 $0x20, s8  }
0xa: {  	s15 =	sor.u32 $0x30, s8;
	s24 =	simm.s32 $0x80;
	s5 =	sadd.s32 s0, s4  }
.Ltmp0:
0xb: {  	s26 =	sadd.s32 s1, s4;
	[dreg:$0x6] =	wrdreg s5;
	(pc) =	sbr.rel .LBB2_1-.Ltmp0, $4  }
0xc: {  	s25 =	sor.u32 $0x800, s4;
	s2 =	smax.u32 s2, $0x1;
	[dreg:$0x7] =	wrdreg s26  }
0xd: {  	s13 =	sadd.s32 s6, s4;
	s31 =	sadd.s32 s0, s25;
	[dreg:$0xa] =	wrdreg s2  }
0xe: {  	s3 =	sadd.s32 s1, s25;
	s25 =	simm.s32 $0x100;
	[dreg:$0x8] =	wrdreg s31  }
0xf: {  	s26 =	simm.s32 $0x180;
	[dreg:$0x9] =	wrdreg s3;
	s3 =	simm.s32 $0x0  }
.LBB2_8:
0x10: {  	s2 =	simm.s32 $0x3  }
0x11: {  	_ =	swait.ge [sflag:s2], $0x4000  }
0x12: {  	[sflag:s2] =	ssyncset.done $0x0  }
0x13: {  	s4 =	simm.s32 $0x4;
	[sflag:s2] =	ssyncadd.s32 $0xFFFFC000  }
0x14: {  	_ =	swait.ge [sflag:s4], $0x4000  }
0x15: {  	s3 =	sadd.s32 $0x1, s3;
	s31 =	rddreg [dreg:$0xa]  }
0x16: {  	p0 =	sne.s32 s3, s31  }
.Ltmp1:
0x17: {  	_ = 	snop;
	(pc) =	sbr.rel @!p0 .LBB2_9-.Ltmp1, $3  }
0x18: {  	_ =	sdelay $0x1  }
0x19: {  	[sflag:s4] =	ssyncset.done $0x0  }
0x1a: {  	[sflag:s4] =	ssyncadd.s32 $0xFFFFC000  }
.LBB2_1:
0x1b: {  	s2 =	rddreg [dreg:$0x2]  }
0x1c: {  	[tilespmem:s7], [sflag:$0x5] =	stream.linear.gather [hbm4b:s2+s7], $0x200, $0x38;
	[tilespmem:$0x18280] =	vst v63  }
0x1d: {  	_ =	swait.ge [sflag:s17], $0x200  }
0x1e: {  	[sflag:s17] =	ssyncset.done $0x0  }
0x1f: {  	[sflag:s17] =	ssyncadd.s32 $0xFFFFFE00  }
0x20: {  	s4 =	simm.s32 $0x200;
	s11 =	rddreg [dreg:$0x3]  }
0x21: {  	[tilespmem:s4], [sflag:$0x5] =	stream.linear.gather [hbm4b:s11+s7], $0x80, $0x38;
	[tilespmem:$0x18280] =	vst v63  }
0x22: {  	_ =	swait.ge [sflag:s17], $0x80  }
0x23: {  	[sflag:s17] =	ssyncset.done $0x0  }
0x24: {  	[sflag:s17] =	ssyncadd.s32 $0xFFFFFF80  }
0x25: {  	s16 =	simm.s32 $0x280;
	s12 =	rddreg [dreg:$0x6];
	v0 =	vld [tilespmem:$0x200]  }
0x26: {  	v1 =	vld [tilespmem:$0x210];
	[tilespmem:s16], [sflag:$0x1] =	stream.linear.gather [hbm4b:s12+s7], $0x4000, $0x38  }
0x27: {  	s19 =	simm.s32 $0x8280;
	s18 =	rddreg [dreg:$0x7]  }
0x28: {  	[tilespmem:s19], [sflag:$0x1] =	stream.linear.gather [hbm4b:s18+s7], $0x4000, $0x38;
	[tilespmem:$0x18280] =	vst v63  }
0x29: {  	s20 =	rddreg [dreg:$0x8]  }
0x2a: {  	[tilespmem:s21], [sflag:$0x2] =	stream.linear.gather [hbm4b:s20+s7], $0x4000, $0x38;
	[tilespmem:$0x18280] =	vst v63  }
0x2b: {  	s4 =	simm.s32 $0x0;
	s31 =	rddreg [dreg:$0x9]  }
0x2c: {  	[tilespmem:s22], [sflag:$0x2] =	stream.linear.gather [hbm4b:s31+s7], $0x4000, $0x38;
	[tilespmem:$0x18280] =	vst v63  }
.LBB2_2:
0x2d: {  	_ =	swait.ge [sflag:s23], $0x4000  }
0x2e: {  	[sflag:s23] =	ssyncset.done $0x0  }
0x2f: {  	[sflag:s23] =	ssyncadd.s32 $0xFFFFC000  }
0x30: {  	p0 =	seq.s32 s4, $0x0;
	s5 =	simm.s32 $0x0;
	_ =	swait.ge [sflag:s23], $0x4000  }
0x31: {  	s9 =	simm.s32 $0x0;
	s10 =	simm.s32 @!p0 $0x3;
	[sflag:s23] =	ssyncset.done $0x0  }
0x32: {  	s11 =	sand.u32 $0x2000, s9;
	s12 =	sand.u32 $0x1C00, s5;
	[sflag:s23] =	ssyncadd.s32 $0xFFFFC000  }
0x33: {  	s5 =	sand.u32 $0x380, s5;
	s11 =	sor.u32 s11, s12;
	_ =	swait.ge @!p0 [sflag:s10], $0x4000  }
0x34: {  	s9 =	sand.u32 $0x40, s9;
	s5 =	sor.u32 s5, s11;
	[sflag:s10] =	ssyncset.done @!p0 $0x0  }
0x35: {  	s18 =	sor.u32 s9, s5;
	[sflag:s10] =	ssyncadd.s32 @!p0 $0xFFFFC000  }
0x36: {  	v2 =	vld [tilespmem:s18+$0x290];
	_ =	sdelay $0x1  }
0x37: {  	s19 =	simm.s32 $0x40;
	s20 =	simm.s32 $0x200  }
0x38: {  	s2 =	simm.s32 $0x8;
	s31 =	sand.u32 $0x2000, s19;
	s9 =	sand.u32 $0x1C00, s20;
	v3 =	vld [tilespmem:s18+$0x8290]  }
0x39: {  	s12 =	sand.u32 $0x380, s2;
	s9 =	sor.u32 s31, s9;
	v5 =	vld [tilespmem:s18+$0x8280]  }
0x3a: {  	s5 =	sand.u32 $0x40, s19;
	s9 =	sor.u32 s12, s9;
	v6 =	vld [tilespmem:s18+$0x82A0];
	v4 =	vtrunc.f32 v2  }
0x3b: {  	s19 =	sor.u32 s5, s9;
	v11 =	vld [tilespmem:s18+$0x82B0];
	v4 =	vcvt.f32.s32 v4  }
0x3c: {  	v17 =	vld [tilespmem:s19+$0x8290]  }
0x3d: {  	v18 =	vld [tilespmem:s19+$0x8280];
	v4 =	vcvt.s32.f32 v4  }
0x3e: {  	v7 =	vld [tilespmem:s18+$0x280]  }
0x3f: {  	v3 =	vmul.f32 v3, v1;
	v5 =	vmul.f32 v5, v1;
	v2 =	vsub.f32 v2, v4  }
0x40: {  	v6 =	vmul.f32 v6, v1;
	v11 =	vmul.f32 v11, v1  }
0x41: {  	v17 =	vmul.f32 v17, v1;
	v3 =	vadd.f32 v3, v0;
	v2 =	vand.u32 $0x7FFFFFFF, v2  }
0x42: {  	v18 =	vmul.f32 v18, v1;
	v5 =	vadd.f32 v5, v0;
	v8 =	vsub.f32 $1.000000000e+00, v2  }
0x43: {  	s9 =	simm.s32 $0x80;
	s10 =	simm.s32 $0x400;
	v9 =	vtrunc.f32 v7;
	v11 =	vadd.f32 v11, v0;
	v17 =	vadd.f32 v17, v0;
	v4 =	vld [tilespmem:s18+$0x2B0]  }
0x44: {  	s11 =	simm.s32 $0x10;
	s16 =	sand.u32 $0x2000, s9;
	s20 =	sand.u32 $0x1C00, s10;
	v18 =	vadd.f32 v18, v0;
	v3 =	vmax.f32 v3, $0.0e+00;
	v2 =	vmin.f32 v2, v8  }
0x45: {  	s31 =	sand.u32 $0x380, s11;
	s5 =	sor.u32 s16, s20;
	v5 =	vmax.f32 v5, $0.0e+00;
	v10 =	vmin.f32 v3, $4.000000000e+00;
	v2 =	vmul.f32 $1.600000000e+01, v2  }
0x46: {  	s20 =	sand.u32 $0x40, s9;
	s5 =	sor.u32 s31, s5;
	v17 =	vmax.f32 v17, $0.0e+00;
	v8 =	vcvt.f32.s32 v9;
	v9 =	vtrunc.f32 v10  }
0x47: {  	s20 =	sor.u32 s20, s5;
	v3 =	vadd.f32 v6, v0;
	v12 =	vcvt.f32.s32 v9;
	v13 =	vtrunc.f32 v2  }
0x48: {  	v32 =	vld [tilespmem:s20+$0x8280];
	v6 =	vtrunc.f32 v4;
	v9 =	vmin.f32 v5, $4.000000000e+00;
	v5 =	vcvt.f32.s32 v13  }
0x49: {  	v14 =	vld [tilespmem:s18+$0x2A0];
	v15 =	vmax.f32 v3, $0.0e+00;
	v6 =	vcvt.f32.s32 v6;
	vm0 =	vlt.s32 v12, $0x3  }
0x4a: {  	v8 =	vcvt.s32.f32 v8;
	v12 =	vnsel vm0, $0x3, v12;
	vm0 =	vlt.s32 v5, $0x7  }
0x4b: {  	v6 =	vcvt.s32.f32 v6;
	v12 =	vshll.u32 v12, $0x3;
	v5 =	vnsel vm0, $0x7, v5  }
0x4c: {  	v13 =	vtrunc.f32 v9;
	v3 =	vsub.f32 v7, v8;
	v5 =	vadd.s32 v12, v5  }
0x4d: {  	v18 =	vmax.f32 v18, $0.0e+00;
	v32 =	vmul.f32 v32, v1;
	v8 =	vld [tilespmem:s19+$0x290];
	v13 =	vcvt.f32.s32 v13  }
0x4e: {  	v4 =	vsub.f32 v4, v6;
	v16 =	vand.u32 $0x7FFFFFFF, v3;
	v12 =	vtrunc.f32 v14  }
0x4f: {  	v7 =	vld [tilespmem:s19+$0x82A0];
	v3 =	vmax.f32 v11, $0.0e+00;
	vm0 =	vlt.s32 v13, $0x3;
	v12 =	vcvt.f32.s32 v12  }
0x50: {  	v6 =	vsub.f32 $1.000000000e+00, v16;
	v3 =	vmin.f32 v3, $4.000000000e+00;
	v11 =	vnsel vm0, $0x3, v13;
	v13 =	vld [tilespmem:s19+$0x280]  }
0x51: {  	v4 =	vand.u32 $0x7FFFFFFF, v4;
	v20 =	vtrunc.f32 v3;
	v19 =	vcvt.s32.f32 v12;
	v21 =	vld.idx.msk [tilespmem:v5+s24+$0x0], $0xffff  }
0x52: {  	v6 =	vmin.f32 v16, v6;
	v16 =	vmul.f32 v2, v10;
	v22 =	vtrunc.f32 v8  }
0x53: {  	v11 =	vshll.u32 v11, $0x3;
	v22 =	vcvt.f32.s32 v22;
	v14 =	vsub.f32 v14, v19  }
0x54: {  	v7 =	vmul.f32 v7, v1;
	v12 =	vmin.f32 v15, $4.000000000e+00;
	v15 =	vcvt.f32.s32 v20  }
0x55: {  	v20 =	vmul.f32 $1.600000000e+01, v6;
	v22 =	vcvt.s32.f32 v22;
	v6 =	vand.u32 $0x7FFFFFFF, v14;
	v14 =	vld [tilespmem:s19+$0x2B0]  }
0x56: {  	v23 =	vadd.f32 v7, v0;
	v21 =	vmul.f32 v2, v21;
	v2 =	vtrunc.f32 v13  }
0x57: {  	v7 =	vmin.f32 v17, $4.000000000e+00;
	v17 =	vtrunc.f32 v20;
	v2 =	vcvt.f32.s32 v2  }
0x58: {  	v19 =	vtrunc.f32 v12;
	v17 =	vcvt.f32.s32 v17;
	v24 =	vsub.f32 $1.000000000e+00, v6  }
0x59: {  	v8 =	vsub.f32 v8, v22;
	v26 =	vcvt.s32.f32 v2;
	v2 =	vtrunc.f32 v7  }
0x5a: {  	v6 =	vmin.f32 v6, v24;
	v25 =	vtrunc.f32 v14;
	v27 =	vcvt.f32.s32 v2  }
0x5b: {  	v24 =	vsub.f32 $1.000000000e+00, v4;
	v2 =	vmin.f32 v18, $4.000000000e+00;
	v18 =	vcvt.f32.s32 v25  }
0x5c: {  	v19 =	vcvt.f32.s32 v19;
	v8 =	vand.u32 $0x7FFFFFFF, v8;
	vm1 =	vlt.s32 v27, $0x3  }
0x5d: {  	v24 =	vmin.f32 v4, v24;
	v18 =	vcvt.s32.f32 v18;
	v25 =	vnsel vm1, $0x3, v27;
	v27 =	vld [tilespmem:s19+$0x82B0]  }
0x5e: {  	v4 =	vtrunc.f32 v2;
	v13 =	vsub.f32 v13, v26;
	vm1 =	vlt.s32 v17, $0x7  }
0x5f: {  	v4 =	vcvt.f32.s32 v4;
	v26 =	vsub.f32 v14, v18;
	v14 =	vld.idx.msk [tilespmem:v5+s7+$0x0], $0xffff;
	v17 =	vnsel vm1, $0x7, v17  }
0x60: {  	v22 =	vmax.f32 v23, $0.0e+00;
	v23 =	vld.idx.msk [tilespmem:v5+s25+$0x0], $0xffff;
	v29 =	vsub.f32 $1.000000000e+00, v8;
	v17 =	vadd.s32 v11, v17  }
0x61: {  	vm0 =	vlt.s32 v15, $0x3;
	vm2 =	vlt.s32 v4, $0x3;
	vm1 =	vlt.s32 v19, $0x3  }
0x62: {  	v18 =	vmul.f32 v27, v1;
	v27 =	vmul.f32 $1.600000000e+01, v6;
	v6 =	vmin.f32 v8, v29  }
0x63: {  	v8 =	vnsel vm2, $0x3, v4;
	v4 =	vand.u32 $0x7FFFFFFF, v13;
	v13 =	vmul.f32 $1.600000000e+01, v6  }
0x64: {  	v6 =	vsub.f32 $1.000000000e+00, v4;
	v11 =	vadd.f32 v21, v14;
	v14 =	vnsel vm1, $0x3, v19;
	v19 =	vld [tilespmem:s20+$0x82A0]  }
0x65: {  	v28 =	vmul.f32 v20, v9;
	v15 =	vnsel vm0, $0x3, v15;
	v10 =	vmul.f32 v10, v23;
	v34 =	vld.idx.msk [tilespmem:v17+s24+$0x0], $0xffff  }
0x66: {  	v23 =	vtrunc.f32 v27;
	v35 =	vld.idx.msk [tilespmem:v17+s25+$0x0], $0xffff;
	v30 =	vtrunc.f32 v13;
	v31 =	vmin.f32 v4, v6  }
0x67: {  	v29 =	vld [tilespmem:s19+$0x2A0];
	v21 =	vadd.f32 v11, v10;
	v10 =	vadd.f32 v18, v0;
	v4 =	vcvt.f32.s32 v30  }
0x68: {  	v25 =	vshll.u32 v25, $0x3;
	v14 =	vshll.u32 v14, $0x3;
	v30 =	vld.idx.msk [tilespmem:v5+s26+$0x0], $0xffff;
	v5 =	vcvt.f32.s32 v23  }
0x69: {  	v6 =	vmul.f32 v13, v7;
	v10 =	vmax.f32 v10, $0.0e+00;
	vm1 =	vlt.s32 v4, $0x7  }
0x6a: {  	v19 =	vmul.f32 v19, v1;
	v4 =	vnsel vm1, $0x7, v4;
	vm1 =	vlt.s32 v5, $0x7  }
0x6b: {  	v18 =	vld [tilespmem:s20+$0x8290];
	v20 =	vmul.f32 v20, v34;
	v9 =	vmul.f32 v9, v35;
	v11 =	vadd.s32 v25, v4  }
0x6c: {  	v23 =	vld [tilespmem:s20+$0x290];
	v4 =	vtrunc.f32 v29;
	v33 =	vnsel vm1, $0x7, v5;
	v5 =	vmin.f32 v10, $4.000000000e+00  }
0x6d: {  	v4 =	vcvt.f32.s32 v4;
	v30 =	vmul.f32 v16, v30;
	v33 =	vadd.s32 v14, v33  }
0x6e: {  	v25 =	vld.idx.msk [tilespmem:v17+s26+$0x0], $0xffff;
	v16 =	vtrunc.f32 v5;
	v14 =	vshll.u32 v8, $0x3;
	v8 =	vmul.f32 $1.600000000e+01, v31  }
0x6f: {  	v17 =	vld.idx.msk [tilespmem:v17+s7+$0x0], $0xffff;
	v10 =	vcvt.s32.f32 v4;
	v4 =	vmin.f32 v22, $4.000000000e+00;
	v22 =	vmul.f32 v27, v12  }
0x70: {  	v37 =	vadd.f32 v21, v30;
	v21 =	vmul.f32 v18, v1;
	v18 =	vmul.f32 $1.600000000e+01, v24  }
0x71: {  	v15 =	vshll.u32 v15, $0x3;
	v30 =	vtrunc.f32 v23;
	v59 =	vtrunc.f32 v8  }
0x72: {  	v31 =	vld [tilespmem:s20+$0x2B0];
	v30 =	vcvt.f32.s32 v30;
	v29 =	vsub.f32 v29, v10;
	v10 =	vcvt.f32.s32 v16  }
0x73: {  	v38 =	vld [tilespmem:s20+$0x280];
	v57 =	vadd.f32 v19, v0;
	v16 =	vtrunc.f32 v4;
	v28 =	vmul.f32 v28, v25  }
0x74: {  	v36 =	vld.idx.msk [tilespmem:v11+s24+$0x0], $0xffff;
	v21 =	vadd.f32 v21, v0;
	v17 =	vadd.f32 v20, v17;
	v20 =	vtrunc.f32 v18  }
0x75: {  	v24 =	vld.idx.msk [tilespmem:v33+s26+$0x0], $0xffff;
	v19 =	vcvt.f32.s32 v20;
	v20 =	vadd.f32 v32, v0;
	v25 =	vand.u32 $0x7FFFFFFF, v29  }
0x76: {  	v29 =	vld.idx.msk [tilespmem:v33+s24+$0x0], $0xffff;
	v56 =	vmax.f32 v21, $0.0e+00;
	v17 =	vadd.f32 v17, v9;
	v58 =	vsub.f32 $1.000000000e+00, v25  }
0x77: {  	v55 =	vld.idx.msk [tilespmem:v33+s25+$0x0], $0xffff;
	v9 =	vmax.f32 v20, $0.0e+00;
	v20 =	vtrunc.f32 v31;
	vm0 =	vlt.s32 v19, $0x7  }
0x78: {  	v9 =	vmin.f32 v9, $4.000000000e+00;
	v60 =	vnsel vm0, $0x7, v19;
	v61 =	vcvt.f32.s32 v20  }
0x79: {  	vm0 =	vlt.s32 v10, $0x3;
	v21 =	vmul.f32 v13, v36;
	v13 =	vtrunc.f32 v38  }
0x7a: {  	v13 =	vcvt.f32.s32 v13;
	v24 =	vmul.f32 v22, v24;
	v22 =	vand.u32 $0x7FFFFFFF, v26  }
0x7b: {  	v42 =	vadd.f32 v17, v28;
	v26 =	vld.idx.msk [tilespmem:v33+s7+$0x0], $0xffff;
	v27 =	vmul.f32 v27, v29;
	v29 =	vsub.f32 $1.000000000e+00, v22  }
0x7c: {  	v34 =	vmul.f32 v12, v55;
	v39 =	vcvt.s32.f32 v13;
	v13 =	vmin.f32 v56, $4.000000000e+00  }
0x7d: {  	v12 =	vtrunc.f32 v13;
	v19 =	vmin.f32 v22, v29;
	v22 =	vcvt.s32.f32 v30  }
0x7e: {  	v29 =	vadd.s32 v15, v60;
	v15 =	vtrunc.f32 v9;
	v30 =	vcvt.f32.s32 v59  }
0x7f: {  	v41 =	vld [tilespmem:s20+$0x82B0];
	v25 =	vmin.f32 v25, v58;
	v12 =	vcvt.f32.s32 v12;
	v62 =	vcvt.f32.s32 v15  }
0x80: {  	v20 =	vld.idx.msk [tilespmem:v11+s7+$0x0], $0xffff;
	v15 =	vmul.f32 v8, v2;
	v35 =	vsub.f32 v38, v39;
	v17 =	vadd.f32 v27, v26  }
0x81: {  	v33 =	vld.idx.msk [tilespmem:v11+s25+$0x0], $0xffff;
	v23 =	vsub.f32 v23, v22;
	v22 =	vmax.f32 v57, $0.0e+00;
	vm1 =	vlt.s32 v12, $0x3  }
0x82: {  	v27 =	vcvt.s32.f32 v61;
	vm2 =	vlt.s32 v62, $0x3;
	v40 =	vnsel vm1, $0x3, v12;
	v12 =	vld [tilespmem:s20+$0x2A0]  }
0x83: {  	vm1 =	vlt.s32 v30, $0x7;
	v63 =	vadd.f32 v17, v34;
	v34 =	vand.u32 $0x7FFFFFFF, v23;
	v28 =	vld.idx.msk [tilespmem:v29+s7+$0x0], $0xffff  }
0x84: {  	[tilespmem:s18+$0x10290] =	vst v37;
	v17 =	vsub.f32 v31, v27;
	v27 =	vmul.f32 v41, v1;
	v23 =	vnsel vm2, $0x3, v62;
	v31 =	vld.idx.msk [tilespmem:v29+s24+$0x0], $0xffff  }
0x85: {  	s5 =	sshll.u32 s4, $0x5;
	[tilespmem:s18+$0x10280] =	vst v42;
	v26 =	vshll.u32 v40, $0x3;
	v36 =	vsub.f32 $1.000000000e+00, v34;
	v32 =	vld.idx.msk [tilespmem:v29+s25+$0x0], $0xffff;
	v24 =	vadd.f32 v63, v24  }
.LBB2_3:
0x86: {  	s9 =	sadd.s32 $0x40, s9;
	v35 =	vand.u32 $0x7FFFFFFF, v35;
	s10 =	sadd.s32 $0x200, s10;
	v25 =	vmul.f32 $1.600000000e+01, v25;
	v37 =	vmul.f32 v18, v3  }
0x87: {  	s11 =	sadd.s32 $0x8, s11;
	v33 =	vmul.f32 v7, v33;
	s12 =	sand.u32 $0x2000, s9;
	s16 =	sand.u32 $0x1C00, s10;
	v38 =	vsub.f32 $1.000000000e+00, v35;
	v34 =	vmin.f32 v34, v36;
	[tilespmem:s18+$0x102A0] =	vst v24;
	v29 =	vld.idx.msk [tilespmem:v29+s26+$0x0], $0xffff  }
0x88: {  	v7 =	vmovc v13;
	p1 =	slt.u32 s9, $0x3FC0;
	v24 =	vnsel vm1, $0x7, v30;
	s12 =	sor.u32 s12, s16;
	s16 =	sand.u32 $0x380, s11;
	v34 =	vmul.f32 $1.600000000e+01, v34;
	v30 =	vld.idx.msk [tilespmem:v11+s26+$0x0], $0xffff;
	v11 =	vtrunc.f32 v25  }
0x89: {  	s31 =	sand.u32 $0x40, s9;
	s12 =	sor.u32 s16, s12;
	v13 =	vmin.f32 v35, v38;
	v35 =	vcvt.f32.s32 v11;
	v11 =	vcvt.f32.s32 v16  }
0x8a: {  	v14 =	vadd.s32 v14, v24;
	v18 =	vmul.f32 v18, v31;
	s12 =	sor.u32 s31, s12;
	v16 =	vtrunc.f32 v34  }
0x8b: {  	v31 =	vmul.f32 v3, v32;
	v3 =	vmovc v5;
	v24 =	vld [tilespmem:s12+$0x290];
	v16 =	vcvt.f32.s32 v16;
	vm1 =	vlt.s32 v11, $0x3  }
0x8c: {  	v5 =	vadd.f32 v21, v20;
	v32 =	vld [tilespmem:s12+$0x82A0];
	v20 =	vnsel vm1, $0x3, v11;
	v11 =	vadd.f32 v18, v28  }
0x8d: {  	v21 =	vmul.f32 v34, v7;
	v28 =	vmul.f32 v37, v29;
	v18 =	vld [tilespmem:s12+$0x8290];
	vm1 =	vlt.s32 v16, $0x7  }
0x8e: {  	v33 =	vadd.f32 v5, v33;
	v29 =	vld [tilespmem:s12+$0x8280];
	v16 =	vnsel vm1, $0x7, v16;
	v5 =	vadd.f32 v11, v31  }
0x8f: {  	vm1 =	vlt.s32 v35, $0x7;
	v11 =	vadd.s32 v26, v16;
	v16 =	vadd.f32 v27, v0;
	v26 =	vld.idx.msk [tilespmem:v14+s7+$0x0], $0xffff  }
0x90: {  	v20 =	vshll.u32 v20, $0x3;
	v27 =	vtrunc.f32 v12;
	v31 =	vld.idx.msk [tilespmem:v14+s26+$0x0], $0xffff;
	v28 =	vadd.f32 v5, v28  }
0x91: {  	v27 =	vcvt.f32.s32 v27;
	v5 =	vmax.f32 v16, $0.0e+00;
	v36 =	vld.idx.msk [tilespmem:v14+s25+$0x0], $0xffff;
	v16 =	vnsel vm1, $0x7, v35  }
0x92: {  	v30 =	vmul.f32 v6, v30;
	v5 =	vmin.f32 v5, $4.000000000e+00;
	v35 =	vld.idx.msk [tilespmem:v14+s24+$0x0], $0xffff;
	v37 =	vadd.s32 v20, v16;
	[tilespmem:s18+$0x102B0] =	vst v28;
	s18 =	smov.u32 s19;
	s19 =	smov.u32 s20;
	s20 =	smov.u32 s12  }
0x93: {  	v6 =	vmov v21;
	v16 =	vcvt.s32.f32 v27;
	v28 =	vld [tilespmem:s20+$0x280];
	v27 =	vtrunc.f32 v5  }
0x94: {  	v22 =	vmin.f32 v22, $4.000000000e+00;
	v38 =	vmul.f32 v25, v4;
	v21 =	vnsel vm0, $0x3, v10;
	v20 =	vld.idx.msk [tilespmem:v11+s7+$0x0], $0xffff  }
0x95: {  	v14 =	vshll.u32 v23, $0x3;
	v39 =	vsub.f32 v12, v16;
	v10 =	vcvt.f32.s32 v27;
	v23 =	vld.idx.msk [tilespmem:v11+s24+$0x0], $0xffff  }
0x96: {  	v16 =	vtrunc.f32 v22;
	v27 =	vadd.f32 v33, v30;
	v15 =	vmul.f32 v15, v31;
	v12 =	vld [tilespmem:s20+$0x2A0]  }
0x97: {  	v13 =	vmul.f32 $1.600000000e+01, v13;
	v30 =	vmul.f32 v18, v1;
	v31 =	vand.u32 $0x7FFFFFFF, v39;
	v33 =	vld.idx.msk [tilespmem:v37+s25+$0x0], $0xffff  }
0x98: {  	v18 =	vmul.f32 $1.600000000e+01, v19;
	v42 =	vmul.f32 v8, v35;
	v35 =	vshll.u32 v21, $0x3;
	[tilespmem:s18+$0x10290] =	vst v27;
	v27 =	vld.idx.msk [tilespmem:v37+s24+$0x0], $0xffff  }
0x99: {  	v19 =	vadd.f32 v30, v0;
	v30 =	vmul.f32 v32, v1;
	v32 =	vmul.f32 v2, v36;
	v36 =	vld.idx.msk [tilespmem:v37+s26+$0x0], $0xffff  }
0x9a: {  	v39 =	vtrunc.f32 v24;
	v41 =	vtrunc.f32 v18;
	v2 =	vmovc v9;
	v8 =	vmovc v13;
	v26 =	vadd.f32 v42, v26;
	v40 =	vld [tilespmem:s20+$0x2B0]  }
0x9b: {  	v9 =	vmul.f32 v29, v1;
	v13 =	vmax.f32 v19, $0.0e+00;
	v21 =	vmul.f32 v34, v23  }
0x9c: {  	v19 =	vcvt.f32.s32 v41;
	v23 =	vcvt.f32.s32 v39;
	v34 =	vadd.f32 v30, v0  }
0x9d: {  	v29 =	vtrunc.f32 v28;
	v9 =	vadd.f32 v9, v0;
	v30 =	vsub.f32 $1.000000000e+00, v31  }
0x9e: {  	v29 =	vcvt.f32.s32 v29;
	v26 =	vadd.f32 v26, v32;
	v27 =	vmul.f32 v25, v27  }
0x9f: {  	v9 =	vmax.f32 v9, $0.0e+00;
	v38 =	vmul.f32 v38, v36;
	v32 =	vtrunc.f32 v40  }
0xa0: {  	v13 =	vmin.f32 v13, $4.000000000e+00;
	v39 =	vmul.f32 v4, v33;
	v4 =	vmovc v22;
	v36 =	vcvt.s32.f32 v29  }
0xa1: {  	v17 =	vand.u32 $0x7FFFFFFF, v17;
	v22 =	vtrunc.f32 v13;
	v25 =	vmin.f32 v31, v30;
	v31 =	vld.idx.msk [tilespmem:v37+s7+$0x0], $0xffff  }
0xa2: {  	vm0 =	vlt.s32 v19, $0x7;
	v30 =	vtrunc.f32 v8;
	v29 =	vsub.f32 $1.000000000e+00, v17  }
0xa3: {  	v9 =	vmin.f32 v9, $4.000000000e+00;
	v33 =	vnsel vm0, $0x7, v19;
	v22 =	vcvt.f32.s32 v22  }
0xa4: {  	vm0 =	vlt.s32 v10, $0x3;
	v32 =	vcvt.f32.s32 v32;
	v19 =	vmin.f32 v17, v29  }
0xa5: {  	vm1 =	vlt.s32 v22, $0x3;
	v17 =	vcvt.s32.f32 v23;
	v29 =	vadd.s32 v35, v33  }
0xa6: {  	v30 =	vcvt.f32.s32 v30;
	v23 =	vtrunc.f32 v9;
	v35 =	vnsel vm1, $0x3, v22;
	v37 =	vld [tilespmem:s20+$0x82B0]  }
0xa7: {  	v41 =	vadd.f32 v26, v15;
	v23 =	vcvt.f32.s32 v23;
	v27 =	vadd.f32 v27, v31  }
.Ltmp2:
0xa8: {  	v22 =	vmax.f32 v34, $0.0e+00;
	v17 =	vsub.f32 v24, v17;
	v24 =	vcvt.s32.f32 v32;
	v33 =	vld.idx.msk [tilespmem:v11+s25+$0x0], $0xffff;
	(pc) =	sbr.rel @p1 .LBB2_3-.Ltmp2, $4  }
0xa9: {  	v15 =	vmul.f32 v8, v2;
	vm1 =	vlt.s32 v30, $0x7;
	v26 =	vshll.u32 v35, $0x3;
	[tilespmem:s18+$0x10280] =	vst v41  }
0xaa: {  	v35 =	vsub.f32 v28, v36;
	vm2 =	vlt.s32 v23, $0x3;
	v32 =	vadd.f32 v27, v39;
	v28 =	vld.idx.msk [tilespmem:v29+s7+$0x0], $0xffff  }
0xab: {  	v34 =	vand.u32 $0x7FFFFFFF, v17;
	v17 =	vsub.f32 v40, v24;
	v27 =	vmul.f32 v37, v1;
	v31 =	vld.idx.msk [tilespmem:v29+s24+$0x0], $0xffff  }
0xac: {  	v23 =	vnsel vm2, $0x3, v23;
	v36 =	vsub.f32 $1.000000000e+00, v34;
	v24 =	vadd.f32 v32, v38;
	v32 =	vld.idx.msk [tilespmem:v29+s25+$0x0], $0xffff  }
0xad: {  	v35 =	vand.u32 $0x7FFFFFFF, v35;
	v25 =	vmul.f32 $1.600000000e+01, v25  }
0xae: {  	v37 =	vmul.f32 v18, v3;
	v7 =	vmul.f32 v7, v33;
	v30 =	vnsel vm1, $0x7, v30  }
0xaf: {  	v16 =	vcvt.f32.s32 v16;
	v20 =	vadd.f32 v21, v20;
	v19 =	vmul.f32 $1.600000000e+01, v19  }
0xb0: {  	v10 =	vnsel vm0, $0x3, v10;
	v17 =	vand.u32 $0x7FFFFFFF, v17;
	v34 =	vmin.f32 v34, v36  }
0xb1: {  	v22 =	vmin.f32 v22, $4.000000000e+00;
	v38 =	vsub.f32 $1.000000000e+00, v35;
	v52 =	vmul.f32 $1.600000000e+01, v34  }
0xb2: {  	v14 =	vadd.s32 v14, v30;
	v10 =	vshll.u32 v10, $0x3;
	v59 =	vsub.f32 $1.000000000e+00, v17  }
0xb3: {  	v7 =	vadd.f32 v20, v7;
	v20 =	vtrunc.f32 v12;
	v54 =	vtrunc.f32 v52  }
0xb4: {  	v29 =	vld.idx.msk [tilespmem:v29+s26+$0x0], $0xffff;
	vm1 =	vlt.s32 v16, $0x3;
	v18 =	vmul.f32 v18, v31;
	v30 =	vcvt.f32.s32 v54  }
0xb5: {  	v53 =	vtrunc.f32 v25;
	v16 =	vnsel vm1, $0x3, v16;
	v20 =	vcvt.f32.s32 v20  }
0xb6: {  	v3 =	vmul.f32 v3, v32;
	v18 =	vadd.f32 v18, v28;
	vm1 =	vlt.s32 v30, $0x7  }
0xb7: {  	v61 =	vtrunc.f32 v22;
	v34 =	vcvt.f32.s32 v53;
	v28 =	vnsel vm1, $0x7, v30  }
0xb8: {  	v11 =	vld.idx.msk [tilespmem:v11+s26+$0x0], $0xffff;
	v20 =	vcvt.s32.f32 v20;
	v3 =	vadd.f32 v18, v3;
	v18 =	vadd.s32 v26, v28  }
0xb9: {  	v35 =	vmin.f32 v35, v38;
	v21 =	vmul.f32 v37, v29;
	v29 =	vld.idx.msk [tilespmem:v14+s26+$0x0], $0xffff;
	vm1 =	vlt.s32 v34, $0x7  }
0xba: {  	v16 =	vshll.u32 v16, $0x3;
	v12 =	vsub.f32 v12, v20;
	v30 =	vld.idx.msk [tilespmem:v14+s25+$0x0], $0xffff;
	v28 =	vnsel vm1, $0x7, v34  }
0xbb: {  	v26 =	vadd.f32 v27, v0;
	v27 =	vld.idx.msk [tilespmem:v14+s7+$0x0], $0xffff;
	v16 =	vadd.s32 v16, v28;
	v28 =	vtrunc.f32 v19  }
0xbc: {  	v17 =	vmin.f32 v17, v59;
	v38 =	vcvt.f32.s32 v61;
	v14 =	vld.idx.msk [tilespmem:v14+s24+$0x0], $0xffff;
	v20 =	vcvt.f32.s32 v28  }
0xbd: {  	v31 =	vmul.f32 $1.600000000e+01, v35;
	v17 =	vmul.f32 $1.600000000e+01, v17;
	v12 =	vand.u32 $0x7FFFFFFF, v12;
	v28 =	vld.idx.msk [tilespmem:v18+s7+$0x0], $0xffff  }
0xbe: {  	v44 =	vmul.f32 v52, v13;
	v56 =	vsub.f32 $1.000000000e+00, v12;
	vm0 =	vlt.s32 v20, $0x7;
	v55 =	vld.idx.msk [tilespmem:v18+s24+$0x0], $0xffff  }
0xbf: {  	v6 =	vmul.f32 v6, v11;
	v58 =	vtrunc.f32 v31;
	v20 =	vnsel vm0, $0x7, v20;
	v62 =	vld.idx.msk [tilespmem:v18+s25+$0x0], $0xffff  }
0xc0: {  	v36 =	vcvt.f32.s32 v58;
	v12 =	vmin.f32 v12, v56;
	v18 =	vld.idx.msk [tilespmem:v18+s26+$0x0], $0xffff;
	v10 =	vadd.s32 v10, v20  }
0xc1: {  	v23 =	vshll.u32 v23, $0x3;
	v41 =	vtrunc.f32 v17;
	v12 =	vmul.f32 $1.600000000e+01, v12;
	v57 =	vld.idx.msk [tilespmem:v16+s25+$0x0], $0xffff  }
0xc2: {  	v3 =	vadd.f32 v3, v21;
	v26 =	vmax.f32 v26, $0.0e+00;
	vm0 =	vlt.s32 v36, $0x7;
	v20 =	vld.idx.msk [tilespmem:v16+s24+$0x0], $0xffff  }
0xc3: {  	v26 =	vmin.f32 v26, $4.000000000e+00;
	v60 =	vld.idx.msk [tilespmem:v16+s26+$0x0], $0xffff;
	v36 =	vnsel vm0, $0x7, v36;
	v39 =	vtrunc.f32 v12  }
0xc4: {  	v21 =	vtrunc.f32 v26;
	v16 =	vld.idx.msk [tilespmem:v16+s7+$0x0], $0xffff;
	v39 =	vcvt.f32.s32 v39;
	v23 =	vadd.s32 v23, v36  }
0xc5: {  	v41 =	vcvt.f32.s32 v41;
	v11 =	vcvt.f32.s32 v21;
	vm0 =	vlt.s32 v38, $0x3;
	v40 =	vld.idx.msk [tilespmem:v10+s7+$0x0], $0xffff  }
0xc6: {  	v8 =	vmul.f32 v8, v14;
	v38 =	vnsel vm0, $0x3, v38;
	vm0 =	vlt.s32 v39, $0x7;
	v21 =	vld.idx.msk [tilespmem:v10+s24+$0x0], $0xffff  }
0xc7: {  	v2 =	vmul.f32 v2, v30;
	v38 =	vshll.u32 v38, $0x3;
	v39 =	vnsel vm0, $0x7, v39;
	v63 =	vld.idx.msk [tilespmem:v10+s25+$0x0], $0xffff  }
0xc8: {  	v8 =	vadd.f32 v8, v27;
	vm0 =	vlt.s32 v11, $0x3;
	v10 =	vld.idx.msk [tilespmem:v10+s26+$0x0], $0xffff;
	v14 =	vadd.s32 v38, v39  }
0xc9: {  	v15 =	vmul.f32 v15, v29;
	v11 =	vnsel vm0, $0x3, v11;
	vm0 =	vlt.s32 v41, $0x7;
	v30 =	vld.idx.msk [tilespmem:v23+s7+$0x0], $0xffff  }
0xca: {  	[tilespmem:s18+$0x102A0] =	vst v24;
	v2 =	vadd.f32 v8, v2;
	v24 =	vld.idx.msk [tilespmem:v23+s26+$0x0], $0xffff;
	v11 =	vshll.u32 v11, $0x3;
	v27 =	vnsel vm0, $0x7, v41  }
0xcb: {  	v13 =	vmul.f32 v13, v62;
	v20 =	vmul.f32 v25, v20;
	v8 =	vld.idx.msk [tilespmem:v23+s24+$0x0], $0xffff;
	v11 =	vadd.s32 v11, v27  }
0xcc: {  	v6 =	vadd.f32 v7, v6;
	v25 =	vmul.f32 v25, v4;
	v4 =	vmul.f32 v4, v57;
	v27 =	vld.idx.msk [tilespmem:v23+s25+$0x0], $0xffff  }
0xcd: {  	v2 =	vadd.f32 v2, v15;
	v7 =	vadd.f32 v20, v16;
	v20 =	vmul.f32 v52, v55;
	v16 =	vld.idx.msk [tilespmem:v14+s25+$0x0], $0xffff  }
0xce: {  	v23 =	vmul.f32 v25, v60;
	v25 =	vmul.f32 v31, v9;
	v15 =	vld.idx.msk [tilespmem:v14+s24+$0x0], $0xffff  }
0xcf: {  	[tilespmem:s19+$0x10280] =	vst v2;
	v4 =	vadd.f32 v7, v4;
	v7 =	vmul.f32 v19, v21;
	v21 =	vld.idx.msk [tilespmem:v14+s7+$0x0], $0xffff  }
0xd0: {  	v2 =	vmul.f32 v17, v26;
	v20 =	vadd.f32 v20, v28;
	v19 =	vmul.f32 v19, v5;
	v28 =	vld.idx.msk [tilespmem:v11+s24+$0x0], $0xffff  }
0xd1: {  	v5 =	vmul.f32 v5, v63;
	v4 =	vadd.f32 v4, v23;
	v7 =	vadd.f32 v7, v40;
	v23 =	vld.idx.msk [tilespmem:v11+s7+$0x0], $0xffff  }
0xd2: {  	v8 =	vmul.f32 v31, v8;
	v10 =	vmul.f32 v19, v10;
	v19 =	vld.idx.msk [tilespmem:v11+s25+$0x0], $0xffff  }
0xd3: {  	v14 =	vld.idx.msk [tilespmem:v14+s26+$0x0], $0xffff;
	v9 =	vmul.f32 v9, v27;
	v5 =	vadd.f32 v7, v5;
	v7 =	vmul.f32 v44, v18  }
0xd4: {  	v11 =	vld.idx.msk [tilespmem:v11+s26+$0x0], $0xffff;
	v8 =	vadd.f32 v8, v30;
	v18 =	vmul.f32 v12, v22;
	v12 =	vmul.f32 v12, v15  }
0xd5: {  	[tilespmem:s18+$0x102B0] =	vst v3;
	v13 =	vadd.f32 v20, v13;
	v3 =	vadd.f32 v5, v10;
	v10 =	vmul.f32 v17, v28  }
0xd6: {  	[tilespmem:s19+$0x10290] =	vst v6;
	v6 =	vadd.f32 v8, v9;
	v8 =	vmul.f32 v22, v16;
	v9 =	vadd.f32 v12, v21  }
0xd7: {  	v5 =	vmul.f32 v25, v24;
	v12 =	vmul.f32 v26, v19;
	v10 =	vadd.f32 v10, v23  }
0xd8: {  	[tilespmem:s19+$0x102A0] =	vst v4;
	v4 =	vadd.f32 v13, v7;
	v7 =	vmul.f32 v18, v14;
	v8 =	vadd.f32 v9, v8  }
0xd9: {  	v2 =	vmul.f32 v2, v11;
	[tilespmem:s19+$0x102B0] =	vst v3;
	v3 =	vadd.f32 v6, v5;
	v5 =	vadd.f32 v10, v12  }
0xda: {  	[tilespmem:s20+$0x10290] =	vst v4;
	v4 =	vadd.f32 v8, v7  }
0xdb: {  	[tilespmem:s20+$0x10280] =	vst v3;
	v2 =	vadd.f32 v5, v2  }
0xdc: {  	s9 =	sshll.u32 s4, $0xC;
	[tilespmem:s20+$0x102A0] =	vst v4  }
0xdd: {  	p1 =	seq.s32 s4, $0xF;
	s9 =	sadd.s32 s9, s13;
	[tilespmem:s20+$0x102B0] =	vst v2  }
0xde: {  	[hbm4b:s9+s7] =	stream.linear.scatter [tilespmem:s28], [sflag:$0x3], $0x4000, $0x38;
	[tilespmem:$0x18280] =	vst v63  }
0xdf: {  	s9 =	sadd.s32 @!p1 s5, s14  }
0xe0: {  	s9 =	sshll.u32 @!p1 s9, $0x7  }
0xe1: {  	s11 =	simm.s32 @!p1 $0x0;
	s12 =	simm.s32 @!p1 $0x280;
	s10 =	sadd.s32 @!p1 s0, s9  }
0xe2: {  	[tilespmem:s12], [sflag:$0x1] =	stream.linear.gather @!p1 [hbm4b:s10+s11], $0x4000, $0x38;
	[tilespmem:$0x18280] =	vst v63  }
0xe3: {  	s9 =	sadd.s32 @!p1 s1, s9;
	s10 =	simm.s32 @!p1 $0x8280  }
0xe4: {  	[tilespmem:s10], [sflag:$0x1] =	stream.linear.gather @!p1 [hbm4b:s9+s11], $0x4000, $0x38;
	[tilespmem:$0x18280] =	vst v63  }
0xe5: {  	_ =	swait.ge [sflag:s29], $0x4000  }
0xe6: {  	[sflag:s29] =	ssyncset.done $0x0  }
0xe7: {  	[sflag:s29] =	ssyncadd.s32 $0xFFFFC000  }
0xe8: {  	s31 =	simm.s32 $0x0;
	_ =	swait.ge [sflag:s29], $0x4000  }
0xe9: {  	s2 =	simm.s32 $0x0;
	s16 =	sand.u32 $0x1C00, s31;
	[sflag:s29] =	ssyncset.done $0x0  }
0xea: {  	s18 =	sand.u32 $0x2000, s2;
	s11 =	simm.s32 @!p0 $0x4;
	[sflag:s29] =	ssyncadd.s32 $0xFFFFC000  }
0xeb: {  	s12 =	sor.u32 s18, s16;
	s9 =	sand.u32 $0x380, s31;
	_ =	swait.ge @!p0 [sflag:s11], $0x4000  }
0xec: {  	s10 =	sand.u32 $0x40, s2;
	s9 =	sor.u32 s9, s12;
	[sflag:s11] =	ssyncset.done @!p0 $0x0  }
0xed: {  	s18 =	sor.u32 s10, s9;
	[sflag:s11] =	ssyncadd.s32 @!p0 $0xFFFFC000  }
0xee: {  	v2 =	vld [tilespmem:s18+$0x4290];
	_ =	sdelay $0x1  }
0xef: {  	s19 =	simm.s32 $0x40;
	s20 =	simm.s32 $0x200  }
0xf0: {  	s31 =	sand.u32 $0x2000, s19;
	s2 =	simm.s32 $0x8;
	s10 =	sand.u32 $0x1C00, s20;
	v3 =	vld [tilespmem:s18+$0xC290]  }
0xf1: {  	s12 =	sand.u32 $0x380, s2;
	s10 =	sor.u32 s31, s10;
	v5 =	vld [tilespmem:s18+$0xC280]  }
0xf2: {  	s9 =	sand.u32 $0x40, s19;
	s10 =	sor.u32 s12, s10;
	v6 =	vld [tilespmem:s18+$0xC2A0];
	v4 =	vtrunc.f32 v2  }
0xf3: {  	s19 =	sor.u32 s9, s10;
	v11 =	vld [tilespmem:s18+$0xC2B0];
	v4 =	vcvt.f32.s32 v4  }
0xf4: {  	v17 =	vld [tilespmem:s19+$0xC290]  }
0xf5: {  	v18 =	vld [tilespmem:s19+$0xC280];
	v4 =	vcvt.s32.f32 v4  }
0xf6: {  	v7 =	vld [tilespmem:s18+$0x4280]  }
0xf7: {  	v3 =	vmul.f32 v3, v1;
	v5 =	vmul.f32 v5, v1;
	v2 =	vsub.f32 v2, v4  }
0xf8: {  	v6 =	vmul.f32 v6, v1;
	v11 =	vmul.f32 v11, v1  }
0xf9: {  	v17 =	vmul.f32 v17, v1;
	v3 =	vadd.f32 v3, v0;
	v2 =	vand.u32 $0x7FFFFFFF, v2  }
0xfa: {  	v18 =	vmul.f32 v18, v1;
	v5 =	vadd.f32 v5, v0;
	v8 =	vsub.f32 $1.000000000e+00, v2  }
0xfb: {  	s10 =	simm.s32 $0x80;
	s11 =	simm.s32 $0x400;
	v9 =	vtrunc.f32 v7;
	v11 =	vadd.f32 v11, v0;
	v17 =	vadd.f32 v17, v0;
	v4 =	vld [tilespmem:s18+$0x42B0]  }
0xfc: {  	s12 =	simm.s32 $0x10;
	s16 =	sand.u32 $0x2000, s10;
	s20 =	sand.u32 $0x1C00, s11;
	v18 =	vadd.f32 v18, v0;
	v3 =	vmax.f32 v3, $0.0e+00;
	v2 =	vmin.f32 v2, v8  }
0xfd: {  	s31 =	sand.u32 $0x380, s12;
	s9 =	sor.u32 s16, s20;
	v5 =	vmax.f32 v5, $0.0e+00;
	v10 =	vmin.f32 v3, $4.000000000e+00;
	v2 =	vmul.f32 $1.600000000e+01, v2  }
0xfe: {  	s2 =	sand.u32 $0x40, s10;
	s9 =	sor.u32 s31, s9;
	v17 =	vmax.f32 v17, $0.0e+00;
	v8 =	vcvt.f32.s32 v9;
	v9 =	vtrunc.f32 v10  }
0xff: {  	s20 =	sor.u32 s2, s9;
	v3 =	vadd.f32 v6, v0;
	v12 =	vcvt.f32.s32 v9;
	v13 =	vtrunc.f32 v2  }
0x100: {  	v45 =	vld [tilespmem:s20+$0xC280];
	v6 =	vtrunc.f32 v4;
	v9 =	vmin.f32 v5, $4.000000000e+00;
	v5 =	vcvt.f32.s32 v13  }
0x101: {  	v14 =	vld [tilespmem:s18+$0x42A0];
	v15 =	vmax.f32 v3, $0.0e+00;
	v6 =	vcvt.f32.s32 v6;
	vm0 =	vlt.s32 v12, $0x3  }
0x102: {  	v8 =	vcvt.s32.f32 v8;
	v12 =	vnsel vm0, $0x3, v12;
	vm0 =	vlt.s32 v5, $0x7  }
0x103: {  	v6 =	vcvt.s32.f32 v6;
	v12 =	vshll.u32 v12, $0x3;
	v5 =	vnsel vm0, $0x7, v5  }
0x104: {  	v13 =	vtrunc.f32 v9;
	v3 =	vsub.f32 v7, v8;
	v5 =	vadd.s32 v12, v5  }
0x105: {  	v18 =	vmax.f32 v18, $0.0e+00;
	v32 =	vmul.f32 v45, v1;
	v8 =	vld [tilespmem:s19+$0x4290];
	v13 =	vcvt.f32.s32 v13  }
0x106: {  	v4 =	vsub.f32 v4, v6;
	v16 =	vand.u32 $0x7FFFFFFF, v3;
	v12 =	vtrunc.f32 v14  }
0x107: {  	v7 =	vld [tilespmem:s19+$0xC2A0];
	v3 =	vmax.f32 v11, $0.0e+00;
	vm0 =	vlt.s32 v13, $0x3;
	v12 =	vcvt.f32.s32 v12  }
0x108: {  	v6 =	vsub.f32 $1.000000000e+00, v16;
	v3 =	vmin.f32 v3, $4.000000000e+00;
	v11 =	vnsel vm0, $0x3, v13;
	v13 =	vld [tilespmem:s19+$0x4280]  }
0x109: {  	v4 =	vand.u32 $0x7FFFFFFF, v4;
	v20 =	vtrunc.f32 v3;
	v19 =	vcvt.s32.f32 v12;
	v21 =	vld.idx.msk [tilespmem:v5+s24+$0x0], $0xffff  }
0x10a: {  	v6 =	vmin.f32 v16, v6;
	v16 =	vmul.f32 v2, v10;
	v22 =	vtrunc.f32 v8  }
0x10b: {  	v11 =	vshll.u32 v11, $0x3;
	v22 =	vcvt.f32.s32 v22;
	v14 =	vsub.f32 v14, v19  }
0x10c: {  	v7 =	vmul.f32 v7, v1;
	v12 =	vmin.f32 v15, $4.000000000e+00;
	v15 =	vcvt.f32.s32 v20  }
0x10d: {  	v20 =	vmul.f32 $1.600000000e+01, v6;
	v22 =	vcvt.s32.f32 v22;
	v6 =	vand.u32 $0x7FFFFFFF, v14;
	v14 =	vld [tilespmem:s19+$0x42B0]  }
0x10e: {  	v23 =	vadd.f32 v7, v0;
	v21 =	vmul.f32 v2, v21;
	v2 =	vtrunc.f32 v13  }
0x10f: {  	v7 =	vmin.f32 v17, $4.000000000e+00;
	v17 =	vtrunc.f32 v20;
	v2 =	vcvt.f32.s32 v2  }
0x110: {  	v19 =	vtrunc.f32 v12;
	v17 =	vcvt.f32.s32 v17;
	v24 =	vsub.f32 $1.000000000e+00, v6  }
0x111: {  	v8 =	vsub.f32 v8, v22;
	v26 =	vcvt.s32.f32 v2;
	v2 =	vtrunc.f32 v7  }
0x112: {  	v6 =	vmin.f32 v6, v24;
	v25 =	vtrunc.f32 v14;
	v27 =	vcvt.f32.s32 v2  }
0x113: {  	v24 =	vsub.f32 $1.000000000e+00, v4;
	v2 =	vmin.f32 v18, $4.000000000e+00;
	v18 =	vcvt.f32.s32 v25  }
0x114: {  	v19 =	vcvt.f32.s32 v19;
	v8 =	vand.u32 $0x7FFFFFFF, v8;
	vm1 =	vlt.s32 v27, $0x3  }
0x115: {  	v24 =	vmin.f32 v4, v24;
	v18 =	vcvt.s32.f32 v18;
	v25 =	vnsel vm1, $0x3, v27;
	v27 =	vld [tilespmem:s19+$0xC2B0]  }
0x116: {  	v4 =	vtrunc.f32 v2;
	v13 =	vsub.f32 v13, v26;
	vm1 =	vlt.s32 v17, $0x7  }
0x117: {  	v4 =	vcvt.f32.s32 v4;
	v26 =	vsub.f32 v14, v18;
	v14 =	vld.idx.msk [tilespmem:v5+s7+$0x0], $0xffff;
	v17 =	vnsel vm1, $0x7, v17  }
0x118: {  	v22 =	vmax.f32 v23, $0.0e+00;
	v23 =	vld.idx.msk [tilespmem:v5+s25+$0x0], $0xffff;
	v29 =	vsub.f32 $1.000000000e+00, v8;
	v17 =	vadd.s32 v11, v17  }
0x119: {  	vm0 =	vlt.s32 v15, $0x3;
	vm2 =	vlt.s32 v4, $0x3;
	vm1 =	vlt.s32 v19, $0x3  }
0x11a: {  	v18 =	vmul.f32 v27, v1;
	v27 =	vmul.f32 $1.600000000e+01, v6;
	v6 =	vmin.f32 v8, v29  }
0x11b: {  	v8 =	vnsel vm2, $0x3, v4;
	v4 =	vand.u32 $0x7FFFFFFF, v13;
	v13 =	vmul.f32 $1.600000000e+01, v6  }
0x11c: {  	v6 =	vsub.f32 $1.000000000e+00, v4;
	v11 =	vadd.f32 v21, v14;
	v14 =	vnsel vm1, $0x3, v19;
	v19 =	vld [tilespmem:s20+$0xC2A0]  }
0x11d: {  	v28 =	vmul.f32 v20, v9;
	v15 =	vnsel vm0, $0x3, v15;
	v10 =	vmul.f32 v10, v23;
	v47 =	vld.idx.msk [tilespmem:v17+s24+$0x0], $0xffff  }
0x11e: {  	v23 =	vtrunc.f32 v27;
	v48 =	vld.idx.msk [tilespmem:v17+s25+$0x0], $0xffff;
	v30 =	vtrunc.f32 v13;
	v31 =	vmin.f32 v4, v6  }
0x11f: {  	v29 =	vld [tilespmem:s19+$0x42A0];
	v21 =	vadd.f32 v11, v10;
	v10 =	vadd.f32 v18, v0;
	v4 =	vcvt.f32.s32 v30  }
0x120: {  	v25 =	vshll.u32 v25, $0x3;
	v14 =	vshll.u32 v14, $0x3;
	v30 =	vld.idx.msk [tilespmem:v5+s26+$0x0], $0xffff;
	v5 =	vcvt.f32.s32 v23  }
0x121: {  	v6 =	vmul.f32 v13, v7;
	v10 =	vmax.f32 v10, $0.0e+00;
	vm1 =	vlt.s32 v4, $0x7  }
0x122: {  	v19 =	vmul.f32 v19, v1;
	v4 =	vnsel vm1, $0x7, v4;
	vm1 =	vlt.s32 v5, $0x7  }
0x123: {  	v18 =	vld [tilespmem:s20+$0xC290];
	v20 =	vmul.f32 v20, v47;
	v9 =	vmul.f32 v9, v48;
	v11 =	vadd.s32 v25, v4  }
0x124: {  	v23 =	vld [tilespmem:s20+$0x4290];
	v4 =	vtrunc.f32 v29;
	v46 =	vnsel vm1, $0x7, v5;
	v5 =	vmin.f32 v10, $4.000000000e+00  }
0x125: {  	v4 =	vcvt.f32.s32 v4;
	v30 =	vmul.f32 v16, v30;
	v33 =	vadd.s32 v14, v46  }
0x126: {  	v25 =	vld.idx.msk [tilespmem:v17+s26+$0x0], $0xffff;
	v16 =	vtrunc.f32 v5;
	v14 =	vshll.u32 v8, $0x3;
	v8 =	vmul.f32 $1.600000000e+01, v31  }
0x127: {  	v17 =	vld.idx.msk [tilespmem:v17+s7+$0x0], $0xffff;
	v10 =	vcvt.s32.f32 v4;
	v4 =	vmin.f32 v22, $4.000000000e+00;
	v22 =	vmul.f32 v27, v12  }
0x128: {  	v50 =	vadd.f32 v21, v30;
	v21 =	vmul.f32 v18, v1;
	v18 =	vmul.f32 $1.600000000e+01, v24  }
0x129: {  	v15 =	vshll.u32 v15, $0x3;
	v30 =	vtrunc.f32 v23;
	v57 =	vtrunc.f32 v8  }
0x12a: {  	v31 =	vld [tilespmem:s20+$0x42B0];
	v30 =	vcvt.f32.s32 v30;
	v29 =	vsub.f32 v29, v10;
	v10 =	vcvt.f32.s32 v16  }
0x12b: {  	v51 =	vld [tilespmem:s20+$0x4280];
	v54 =	vadd.f32 v19, v0;
	v16 =	vtrunc.f32 v4;
	v28 =	vmul.f32 v28, v25  }
0x12c: {  	v49 =	vld.idx.msk [tilespmem:v11+s24+$0x0], $0xffff;
	v21 =	vadd.f32 v21, v0;
	v17 =	vadd.f32 v20, v17;
	v20 =	vtrunc.f32 v18  }
0x12d: {  	v24 =	vld.idx.msk [tilespmem:v33+s26+$0x0], $0xffff;
	v19 =	vcvt.f32.s32 v20;
	v20 =	vadd.f32 v32, v0;
	v25 =	vand.u32 $0x7FFFFFFF, v29  }
0x12e: {  	v29 =	vld.idx.msk [tilespmem:v33+s24+$0x0], $0xffff;
	v53 =	vmax.f32 v21, $0.0e+00;
	v17 =	vadd.f32 v17, v9;
	v55 =	vsub.f32 $1.000000000e+00, v25  }
0x12f: {  	v52 =	vld.idx.msk [tilespmem:v33+s25+$0x0], $0xffff;
	v9 =	vmax.f32 v20, $0.0e+00;
	v20 =	vtrunc.f32 v31;
	vm0 =	vlt.s32 v19, $0x7  }
0x130: {  	v9 =	vmin.f32 v9, $4.000000000e+00;
	v58 =	vnsel vm0, $0x7, v19;
	v59 =	vcvt.f32.s32 v20  }
0x131: {  	vm0 =	vlt.s32 v10, $0x3;
	v21 =	vmul.f32 v13, v49;
	v13 =	vtrunc.f32 v51  }
0x132: {  	v13 =	vcvt.f32.s32 v13;
	v24 =	vmul.f32 v22, v24;
	v22 =	vand.u32 $0x7FFFFFFF, v26  }
0x133: {  	v42 =	vadd.f32 v17, v28;
	v26 =	vld.idx.msk [tilespmem:v33+s7+$0x0], $0xffff;
	v27 =	vmul.f32 v27, v29;
	v29 =	vsub.f32 $1.000000000e+00, v22  }
0x134: {  	v34 =	vmul.f32 v12, v52;
	v56 =	vcvt.s32.f32 v13;
	v13 =	vmin.f32 v53, $4.000000000e+00  }
0x135: {  	v12 =	vtrunc.f32 v13;
	v19 =	vmin.f32 v22, v29;
	v22 =	vcvt.s32.f32 v30  }
0x136: {  	v29 =	vadd.s32 v15, v58;
	v15 =	vtrunc.f32 v9;
	v30 =	vcvt.f32.s32 v57  }
0x137: {  	v61 =	vld [tilespmem:s20+$0xC2B0];
	v25 =	vmin.f32 v25, v55;
	v12 =	vcvt.f32.s32 v12;
	v62 =	vcvt.f32.s32 v15  }
0x138: {  	v20 =	vld.idx.msk [tilespmem:v11+s7+$0x0], $0xffff;
	v15 =	vmul.f32 v8, v2;
	v35 =	vsub.f32 v51, v56;
	v17 =	vadd.f32 v27, v26  }
0x139: {  	v33 =	vld.idx.msk [tilespmem:v11+s25+$0x0], $0xffff;
	v23 =	vsub.f32 v23, v22;
	v22 =	vmax.f32 v54, $0.0e+00;
	vm1 =	vlt.s32 v12, $0x3  }
0x13a: {  	v27 =	vcvt.s32.f32 v59;
	vm2 =	vlt.s32 v62, $0x3;
	v60 =	vnsel vm1, $0x3, v12;
	v12 =	vld [tilespmem:s20+$0x42A0]  }
0x13b: {  	vm1 =	vlt.s32 v30, $0x7;
	v63 =	vadd.f32 v17, v34;
	v34 =	vand.u32 $0x7FFFFFFF, v23;
	v28 =	vld.idx.msk [tilespmem:v29+s7+$0x0], $0xffff  }
0x13c: {  	s31 =	sadd.s32 s5, s8;
	[tilespmem:s18+$0x14290] =	vst v50;
	v17 =	vsub.f32 v31, v27;
	v27 =	vmul.f32 v61, v1;
	v23 =	vnsel vm2, $0x3, v62;
	v31 =	vld.idx.msk [tilespmem:v29+s24+$0x0], $0xffff  }
0x13d: {  	s9 =	sadd.s32 $0x10, s31;
	[tilespmem:s18+$0x14280] =	vst v42;
	v26 =	vshll.u32 v60, $0x3;
	v36 =	vsub.f32 $1.000000000e+00, v34;
	v32 =	vld.idx.msk [tilespmem:v29+s25+$0x0], $0xffff;
	v24 =	vadd.f32 v63, v24  }
.LBB2_5:
0x13e: {  	s10 =	sadd.s32 $0x40, s10;
	v35 =	vand.u32 $0x7FFFFFFF, v35;
	s11 =	sadd.s32 $0x200, s11;
	v25 =	vmul.f32 $1.600000000e+01, v25;
	v37 =	vmul.f32 v18, v3  }
0x13f: {  	s12 =	sadd.s32 $0x8, s12;
	v33 =	vmul.f32 v7, v33;
	s16 =	sand.u32 $0x2000, s10;
	s31 =	sand.u32 $0x1C00, s11;
	v38 =	vsub.f32 $1.000000000e+00, v35;
	v34 =	vmin.f32 v34, v36;
	[tilespmem:s18+$0x142A0] =	vst v24;
	v29 =	vld.idx.msk [tilespmem:v29+s26+$0x0], $0xffff  }
0x140: {  	v7 =	vmovc v13;
	p0 =	slt.u32 s10, $0x3FC0;
	v24 =	vnsel vm1, $0x7, v30;
	s16 =	sor.u32 s16, s31;
	s31 =	sand.u32 $0x380, s12;
	v34 =	vmul.f32 $1.600000000e+01, v34;
	v30 =	vld.idx.msk [tilespmem:v11+s26+$0x0], $0xffff;
	v11 =	vtrunc.f32 v25  }
0x141: {  	s2 =	sand.u32 $0x40, s10;
	s16 =	sor.u32 s31, s16;
	v13 =	vmin.f32 v35, v38;
	v35 =	vcvt.f32.s32 v11;
	v11 =	vcvt.f32.s32 v16  }
0x142: {  	v14 =	vadd.s32 v14, v24;
	v18 =	vmul.f32 v18, v31;
	s2 =	sor.u32 s2, s16;
	v16 =	vtrunc.f32 v34  }
0x143: {  	v31 =	vmul.f32 v3, v32;
	v3 =	vmovc v5;
	v24 =	vld [tilespmem:s2+$0x4290];
	v16 =	vcvt.f32.s32 v16;
	vm1 =	vlt.s32 v11, $0x3  }
0x144: {  	v5 =	vadd.f32 v21, v20;
	v32 =	vld [tilespmem:s2+$0xC2A0];
	v20 =	vnsel vm1, $0x3, v11;
	v11 =	vadd.f32 v18, v28  }
0x145: {  	v21 =	vmul.f32 v34, v7;
	v28 =	vmul.f32 v37, v29;
	v18 =	vld [tilespmem:s2+$0xC290];
	vm1 =	vlt.s32 v16, $0x7  }
0x146: {  	v33 =	vadd.f32 v5, v33;
	v29 =	vld [tilespmem:s2+$0xC280];
	v16 =	vnsel vm1, $0x7, v16;
	v5 =	vadd.f32 v11, v31  }
0x147: {  	vm1 =	vlt.s32 v35, $0x7;
	v11 =	vadd.s32 v26, v16;
	v16 =	vadd.f32 v27, v0;
	v26 =	vld.idx.msk [tilespmem:v14+s7+$0x0], $0xffff  }
0x148: {  	v20 =	vshll.u32 v20, $0x3;
	v27 =	vtrunc.f32 v12;
	v31 =	vld.idx.msk [tilespmem:v14+s26+$0x0], $0xffff;
	v28 =	vadd.f32 v5, v28  }
0x149: {  	v27 =	vcvt.f32.s32 v27;
	v5 =	vmax.f32 v16, $0.0e+00;
	v36 =	vld.idx.msk [tilespmem:v14+s25+$0x0], $0xffff;
	v16 =	vnsel vm1, $0x7, v35  }
0x14a: {  	v30 =	vmul.f32 v6, v30;
	v5 =	vmin.f32 v5, $4.000000000e+00;
	v35 =	vld.idx.msk [tilespmem:v14+s24+$0x0], $0xffff;
	v37 =	vadd.s32 v20, v16;
	[tilespmem:s18+$0x142B0] =	vst v28;
	s18 =	smov.u32 s19;
	s19 =	smov.u32 s20;
	s20 =	smov.u32 s2  }
0x14b: {  	v6 =	vmov v21;
	v16 =	vcvt.s32.f32 v27;
	v28 =	vld [tilespmem:s20+$0x4280];
	v27 =	vtrunc.f32 v5  }
0x14c: {  	v22 =	vmin.f32 v22, $4.000000000e+00;
	v38 =	vmul.f32 v25, v4;
	v21 =	vnsel vm0, $0x3, v10;
	v20 =	vld.idx.msk [tilespmem:v11+s7+$0x0], $0xffff  }
0x14d: {  	v14 =	vshll.u32 v23, $0x3;
	v39 =	vsub.f32 v12, v16;
	v10 =	vcvt.f32.s32 v27;
	v23 =	vld.idx.msk [tilespmem:v11+s24+$0x0], $0xffff  }
0x14e: {  	v16 =	vtrunc.f32 v22;
	v27 =	vadd.f32 v33, v30;
	v15 =	vmul.f32 v15, v31;
	v12 =	vld [tilespmem:s20+$0x42A0]  }
0x14f: {  	v13 =	vmul.f32 $1.600000000e+01, v13;
	v30 =	vmul.f32 v18, v1;
	v31 =	vand.u32 $0x7FFFFFFF, v39;
	v33 =	vld.idx.msk [tilespmem:v37+s25+$0x0], $0xffff  }
0x150: {  	v18 =	vmul.f32 $1.600000000e+01, v19;
	v42 =	vmul.f32 v8, v35;
	v35 =	vshll.u32 v21, $0x3;
	[tilespmem:s18+$0x14290] =	vst v27;
	v27 =	vld.idx.msk [tilespmem:v37+s24+$0x0], $0xffff  }
0x151: {  	v19 =	vadd.f32 v30, v0;
	v30 =	vmul.f32 v32, v1;
	v32 =	vmul.f32 v2, v36;
	v36 =	vld.idx.msk [tilespmem:v37+s26+$0x0], $0xffff  }
0x152: {  	v39 =	vtrunc.f32 v24;
	v41 =	vtrunc.f32 v18;
	v2 =	vmovc v9;
	v8 =	vmovc v13;
	v26 =	vadd.f32 v42, v26;
	v40 =	vld [tilespmem:s20+$0x42B0]  }
0x153: {  	v9 =	vmul.f32 v29, v1;
	v13 =	vmax.f32 v19, $0.0e+00;
	v21 =	vmul.f32 v34, v23  }
0x154: {  	v19 =	vcvt.f32.s32 v41;
	v23 =	vcvt.f32.s32 v39;
	v34 =	vadd.f32 v30, v0  }
0x155: {  	v29 =	vtrunc.f32 v28;
	v9 =	vadd.f32 v9, v0;
	v30 =	vsub.f32 $1.000000000e+00, v31  }
0x156: {  	v29 =	vcvt.f32.s32 v29;
	v26 =	vadd.f32 v26, v32;
	v27 =	vmul.f32 v25, v27  }
0x157: {  	v9 =	vmax.f32 v9, $0.0e+00;
	v38 =	vmul.f32 v38, v36;
	v32 =	vtrunc.f32 v40  }
0x158: {  	v13 =	vmin.f32 v13, $4.000000000e+00;
	v39 =	vmul.f32 v4, v33;
	v4 =	vmovc v22;
	v36 =	vcvt.s32.f32 v29  }
0x159: {  	v17 =	vand.u32 $0x7FFFFFFF, v17;
	v22 =	vtrunc.f32 v13;
	v25 =	vmin.f32 v31, v30;
	v31 =	vld.idx.msk [tilespmem:v37+s7+$0x0], $0xffff  }
0x15a: {  	vm0 =	vlt.s32 v19, $0x7;
	v30 =	vtrunc.f32 v8;
	v29 =	vsub.f32 $1.000000000e+00, v17  }
0x15b: {  	v9 =	vmin.f32 v9, $4.000000000e+00;
	v33 =	vnsel vm0, $0x7, v19;
	v22 =	vcvt.f32.s32 v22  }
0x15c: {  	vm0 =	vlt.s32 v10, $0x3;
	v32 =	vcvt.f32.s32 v32;
	v19 =	vmin.f32 v17, v29  }
0x15d: {  	vm1 =	vlt.s32 v22, $0x3;
	v17 =	vcvt.s32.f32 v23;
	v29 =	vadd.s32 v35, v33  }
0x15e: {  	v30 =	vcvt.f32.s32 v30;
	v23 =	vtrunc.f32 v9;
	v35 =	vnsel vm1, $0x3, v22;
	v37 =	vld [tilespmem:s20+$0xC2B0]  }
0x15f: {  	v41 =	vadd.f32 v26, v15;
	v23 =	vcvt.f32.s32 v23;
	v27 =	vadd.f32 v27, v31  }
.Ltmp3:
0x160: {  	v22 =	vmax.f32 v34, $0.0e+00;
	v17 =	vsub.f32 v24, v17;
	v24 =	vcvt.s32.f32 v32;
	v33 =	vld.idx.msk [tilespmem:v11+s25+$0x0], $0xffff;
	(pc) =	sbr.rel @p0 .LBB2_5-.Ltmp3, $4  }
0x161: {  	v15 =	vmul.f32 v8, v2;
	vm1 =	vlt.s32 v30, $0x7;
	v26 =	vshll.u32 v35, $0x3;
	[tilespmem:s18+$0x14280] =	vst v41  }
0x162: {  	v35 =	vsub.f32 v28, v36;
	vm2 =	vlt.s32 v23, $0x3;
	v32 =	vadd.f32 v27, v39;
	v28 =	vld.idx.msk [tilespmem:v29+s7+$0x0], $0xffff  }
0x163: {  	v34 =	vand.u32 $0x7FFFFFFF, v17;
	v17 =	vsub.f32 v40, v24;
	v27 =	vmul.f32 v37, v1;
	v31 =	vld.idx.msk [tilespmem:v29+s24+$0x0], $0xffff  }
0x164: {  	v23 =	vnsel vm2, $0x3, v23;
	v36 =	vsub.f32 $1.000000000e+00, v34;
	v24 =	vadd.f32 v32, v38;
	v32 =	vld.idx.msk [tilespmem:v29+s25+$0x0], $0xffff  }
0x165: {  	v25 =	vmul.f32 $1.600000000e+01, v25  }
0x166: {  	v35 =	vand.u32 $0x7FFFFFFF, v35;
	v37 =	vmul.f32 v18, v3;
	v7 =	vmul.f32 v7, v33  }
0x167: {  	v30 =	vnsel vm1, $0x7, v30;
	v16 =	vcvt.f32.s32 v16;
	v20 =	vadd.f32 v21, v20  }
0x168: {  	v56 =	vtrunc.f32 v12;
	v57 =	vadd.f32 v27, v0;
	v19 =	vmul.f32 $1.600000000e+01, v19  }
0x169: {  	v10 =	vnsel vm0, $0x3, v10;
	v17 =	vand.u32 $0x7FFFFFFF, v17;
	v22 =	vmin.f32 v22, $4.000000000e+00  }
0x16a: {  	v23 =	vshll.u32 v23, $0x3;
	v38 =	vsub.f32 $1.000000000e+00, v35;
	v34 =	vmin.f32 v34, v36  }
0x16b: {  	v14 =	vadd.s32 v14, v30;
	v10 =	vshll.u32 v10, $0x3;
	v50 =	vtrunc.f32 v25  }
0x16c: {  	v49 =	vsub.f32 $1.000000000e+00, v17;
	v33 =	vmul.f32 $1.600000000e+01, v34;
	v34 =	vcvt.f32.s32 v50  }
0x16d: {  	v29 =	vld.idx.msk [tilespmem:v29+s26+$0x0], $0xffff;
	vm7 =	vlt.s32 v16, $0x3;
	v7 =	vadd.f32 v20, v7;
	v20 =	vcvt.f32.s32 v56  }
0x16e: {  	v59 =	vtrunc.f32 v19;
	v16 =	vnsel vm7, $0x3, v16;
	vm9 =	vlt.s32 v34, $0x7  }
0x16f: {  	v35 =	vmin.f32 v35, v38;
	v16 =	vshll.u32 v16, $0x3;
	v58 =	vnsel vm9, $0x7, v34  }
0x170: {  	v11 =	vld.idx.msk [tilespmem:v11+s26+$0x0], $0xffff;
	v52 =	vmul.f32 v18, v31;
	v62 =	vcvt.f32.s32 v59;
	v16 =	vadd.s32 v16, v58  }
0x171: {  	v17 =	vmin.f32 v17, v49;
	v51 =	vtrunc.f32 v33;
	v20 =	vcvt.s32.f32 v20;
	v27 =	vld.idx.msk [tilespmem:v14+s7+$0x0], $0xffff  }
0x172: {  	v3 =	vmul.f32 v3, v32;
	v54 =	vmul.f32 v37, v29;
	vm10 =	vlt.s32 v62, $0x7;
	v29 =	vld.idx.msk [tilespmem:v14+s26+$0x0], $0xffff  }
0x173: {  	v31 =	vmul.f32 $1.600000000e+01, v35;
	v60 =	vld.idx.msk [tilespmem:v14+s25+$0x0], $0xffff;
	v61 =	vsub.f32 v12, v20;
	v20 =	vnsel vm10, $0x7, v62  }
0x174: {  	v17 =	vmul.f32 $1.600000000e+01, v17;
	v53 =	vcvt.f32.s32 v51;
	v14 =	vld.idx.msk [tilespmem:v14+s24+$0x0], $0xffff;
	v10 =	vadd.s32 v10, v20  }
0x175: {  	v18 =	vadd.f32 v52, v28;
	v51 =	vtrunc.f32 v22;
	v6 =	vmul.f32 v6, v11;
	v46 =	vld.idx.msk [tilespmem:v16+s25+$0x0], $0xffff  }
0x176: {  	v47 =	vtrunc.f32 v31;
	v38 =	vcvt.f32.s32 v51;
	vm8 =	vlt.s32 v53, $0x7;
	v48 =	vld.idx.msk [tilespmem:v16+s24+$0x0], $0xffff  }
0x177: {  	v3 =	vadd.f32 v18, v3;
	v36 =	vcvt.f32.s32 v47;
	v55 =	vnsel vm8, $0x7, v53;
	v50 =	vld.idx.msk [tilespmem:v16+s26+$0x0], $0xffff  }
0x178: {  	v12 =	vand.u32 $0x7FFFFFFF, v61;
	v18 =	vadd.s32 v26, v55;
	v26 =	vmax.f32 v57, $0.0e+00;
	v16 =	vld.idx.msk [tilespmem:v16+s7+$0x0], $0xffff  }
0x179: {  	v41 =	vtrunc.f32 v17;
	v45 =	vsub.f32 $1.000000000e+00, v12;
	v26 =	vmin.f32 v26, $4.000000000e+00;
	v40 =	vld.idx.msk [tilespmem:v10+s7+$0x0], $0xffff  }
0x17a: {  	v3 =	vadd.f32 v3, v54;
	vm11 =	vlt.s32 v36, $0x7;
	v63 =	vtrunc.f32 v26;
	v54 =	vld.idx.msk [tilespmem:v10+s24+$0x0], $0xffff  }
0x17b: {  	v36 =	vnsel vm11, $0x7, v36;
	v12 =	vmin.f32 v12, v45;
	v53 =	vcvt.f32.s32 v63;
	v55 =	vld.idx.msk [tilespmem:v10+s25+$0x0], $0xffff  }
0x17c: {  	v41 =	vcvt.f32.s32 v41;
	v23 =	vadd.s32 v23, v36;
	v12 =	vmul.f32 $1.600000000e+01, v12;
	v10 =	vld.idx.msk [tilespmem:v10+s26+$0x0], $0xffff  }
0x17d: {  	v43 =	vmul.f32 v31, v9;
	vm12 =	vlt.s32 v38, $0x3;
	v28 =	vld.idx.msk [tilespmem:v18+s7+$0x0], $0xffff;
	vm14 =	vlt.s32 v53, $0x3  }
0x17e: {  	vm15 =	vlt.s32 v41, $0x7;
	v44 =	vld.idx.msk [tilespmem:v18+s24+$0x0], $0xffff;
	v39 =	vtrunc.f32 v12;
	v11 =	vnsel vm14, $0x3, v53  }
0x17f: {  	v59 =	vnsel vm15, $0x7, v41;
	v52 =	vld.idx.msk [tilespmem:v18+s25+$0x0], $0xffff;
	v39 =	vcvt.f32.s32 v39;
	v11 =	vshll.u32 v11, $0x3  }
0x180: {  	v38 =	vnsel vm12, $0x3, v38;
	v8 =	vmul.f32 v8, v14;
	v18 =	vld.idx.msk [tilespmem:v18+s26+$0x0], $0xffff;
	v11 =	vadd.s32 v11, v59  }
0x181: {  	v61 =	vmul.f32 v33, v13;
	v38 =	vshll.u32 v38, $0x3;
	v57 =	vld.idx.msk [tilespmem:v23+s7+$0x0], $0xffff;
	vm13 =	vlt.s32 v39, $0x7  }
0x182: {  	v2 =	vmul.f32 v2, v60;
	v8 =	vadd.f32 v8, v27;
	v58 =	vld.idx.msk [tilespmem:v23+s26+$0x0], $0xffff;
	v39 =	vnsel vm13, $0x7, v39  }
0x183: {  	v15 =	vmul.f32 v15, v29;
	v60 =	vld.idx.msk [tilespmem:v23+s25+$0x0], $0xffff;
	v20 =	vmul.f32 v25, v48;
	v56 =	vadd.s32 v38, v39  }
0x184: {  	v2 =	vadd.f32 v8, v2;
	v62 =	vld.idx.msk [tilespmem:v23+s24+$0x0], $0xffff;
	v25 =	vmul.f32 v25, v4;
	v63 =	vmul.f32 v4, v46  }
0x185: {  	v48 =	vmul.f32 v5, v55;
	v39 =	vmul.f32 v33, v44;
	v47 =	vld.idx.msk [tilespmem:v11+s24+$0x0], $0xffff  }
0x186: {  	v2 =	vadd.f32 v2, v15;
	v41 =	vmul.f32 v25, v50;
	v44 =	vmul.f32 v19, v54;
	v49 =	vld.idx.msk [tilespmem:v11+s7+$0x0], $0xffff  }
0x187: {  	v35 =	vadd.f32 v20, v16;
	v19 =	vmul.f32 v19, v5;
	v46 =	vmul.f32 v13, v52;
	v50 =	vld.idx.msk [tilespmem:v11+s25+$0x0], $0xffff  }
0x188: {  	v6 =	vadd.f32 v7, v6;
	v51 =	vmul.f32 v61, v18;
	v52 =	vmul.f32 v12, v22;
	v42 =	vld.idx.msk [tilespmem:v56+s24+$0x0], $0xffff  }
0x189: {  	[tilespmem:s19+$0x14280] =	vst v2;
	v2 =	vmul.f32 v17, v26;
	v4 =	vadd.f32 v35, v63;
	v38 =	vld.idx.msk [tilespmem:v56+s25+$0x0], $0xffff  }
0x18a: {  	v7 =	vadd.f32 v44, v40;
	v10 =	vmul.f32 v19, v10;
	v8 =	vmul.f32 v31, v62;
	v45 =	vld.idx.msk [tilespmem:v56+s7+$0x0], $0xffff  }
0x18b: {  	v20 =	vadd.f32 v39, v28;
	v53 =	vmul.f32 v9, v60;
	v54 =	vmul.f32 v43, v58;
	v11 =	vld.idx.msk [tilespmem:v11+s26+$0x0], $0xffff  }
0x18c: {  	v4 =	vadd.f32 v4, v41;
	v5 =	vadd.f32 v7, v48;
	v14 =	vld.idx.msk [tilespmem:v56+s26+$0x0], $0xffff;
	v55 =	vmul.f32 v17, v47  }
0x18d: {  	[tilespmem:s18+$0x142A0] =	vst v24;
	v13 =	vadd.f32 v20, v46;
	v8 =	vadd.f32 v8, v57;
	v12 =	vmul.f32 v12, v42  }
0x18e: {  	[tilespmem:s18+$0x142B0] =	vst v3;
	v3 =	vadd.f32 v5, v10;
	v59 =	vmul.f32 v26, v50;
	v10 =	vadd.f32 v55, v49  }
0x18f: {  	[tilespmem:s19+$0x14290] =	vst v6;
	v56 =	vadd.f32 v8, v53;
	v57 =	vmul.f32 v22, v38;
	v58 =	vadd.f32 v12, v45  }
0x190: {  	[tilespmem:s19+$0x142A0] =	vst v4;
	v60 =	vadd.f32 v13, v51;
	v2 =	vmul.f32 v2, v11;
	v62 =	vadd.f32 v10, v59  }
0x191: {  	[tilespmem:s19+$0x142B0] =	vst v3;
	v3 =	vadd.f32 v56, v54;
	v61 =	vmul.f32 v52, v14;
	v8 =	vadd.f32 v58, v57  }
.Ltmp4:
0x192: {  	[tilespmem:s20+$0x14290] =	vst v60;
	v2 =	vadd.f32 v62, v2;
	(pc) =	sbr.rel @p1 .LBB2_8-.Ltmp4, $4  }
0x193: {  	[tilespmem:s20+$0x14280] =	vst v3;
	v63 =	vadd.f32 v8, v61  }
0x194: {  	s2 =	sshll.u32 s9, $0x7;
	[tilespmem:s20+$0x142B0] =	vst v2  }
0x195: {  	s2 =	sadd.s32 s6, s2;
	[tilespmem:s20+$0x142A0] =	vst v63  }
0x196: {  	[hbm4b:s2+s7] =	stream.linear.scatter [tilespmem:s30], [sflag:$0x4], $0x4000, $0x38;
	[tilespmem:$0x18280] =	vst v63  }
0x197: {  	s2 =	sadd.s32 s5, s15  }
.Ltmp5:
0x198: {  	s2 =	sshll.u32 s2, $0x7;
	(pc) =	sbr.rel .LBB2_2-.Ltmp5, $4  }
0x199: {  	s31 =	sadd.s32 s0, s2  }
0x19a: {  	[tilespmem:s21], [sflag:$0x2] =	stream.linear.gather [hbm4b:s31+s7], $0x4000, $0x38;
	[tilespmem:$0x18280] =	vst v63  }
0x19b: {  	s4 =	sadd.s32 $0x1, s4;
	s2 =	sadd.s32 s1, s2  }
0x19c: {  	[tilespmem:s22], [sflag:$0x2] =	stream.linear.gather [hbm4b:s2+s7], $0x4000, $0x38;
	[tilespmem:$0x18280] =	vst v63  }
.LBB2_9:
0x19d: {  	_ =	sfence.sel $0x180000  }
0x19e: {  	[bflag:$0x0] =	sbarrier.arrive $0xFFFF  }
0x19f: {  	_ =	strace $0x90000047  }
0x1a0: {  	s0 =	stileid.u32;
	[bflag:$0x2] =	sbarrier.arrive $0xFFFF  }
0x1a1: {  	p0 =	sne.s32 s0, $0x0;
	s0 =	rddreg [dreg:$0x5]  }
0x1a2: {  	s0 =	sadd.s32 @!p0 $0x100000, s0  }
0x1a3: {  	[sflag:s0] =	ssyncadd.tile.s32 @!p0 $0x1;
	_ =	shalt  }
.Lfunc_end2:
_tile_overlayer_lowered:
.L_overlay_start_2:
0x1a4: {  	(tag) =	ssettag $0x2  }
0x1a5: {  	s0 =	rddreg [dreg:$0x0];
	s2 =	stileid.u32  }
0x1a6: {  	s1 =	rddreg [dreg:$0x1];
	p0 =	sne.s32 s2, $0x0  }
0x1a7: {  	s3 =	rddreg [dreg:$0x2];
	[bflag:$0x3] =	sbarrier.arrive $0xFFFF;
	s2 =	simm.s32 @!p0 $0x1C05  }
0x1a8: {  	[timem:s3], [sflag:s2] =	dma.local @!p0 [hbm:s0], s1  }
0x1a9: {  	s0 =	simm.s32 @!p0 $0x5  }
0x1aa: {  	_ =	swait.ge @!p0 [sflag:s0], s1  }
0x1ab: {  	s1 =	ssub.s32 @!p0 $0x0, s1;
	[sflag:s0] =	ssyncset.done @!p0 $0x0  }
0x1ac: {  	[sflag:s0] =	ssyncadd.s32 @!p0 s1  }
0x1ad: {  	[bflag:$0x3] =	sbarrier.arrive $0xFFFF  }
0x1ae: {  	_ =	shalt  }

</sc_bundles>
